<compile_context>
chip_gen: v7x
topology: tpu7x:2x2x1
jax: 0.10.2.dev20260603
libtpu: 0.0.44.dev20260713+nightly
codegen_flags: <defaults>
</compile_context>

<pallas_src>
import functools
import math

import jax
import jax.numpy as jnp
from jax import lax
from jax.experimental import pallas as pl
from jax.experimental.pallas import tpu as pltpu
from jax.experimental.pallas import tpu_sc as plsc

D_EMBED = 128
D_MODEL = 768
SEQ = 8192

_NC = 2
_NS = 16
_NW = _NC * _NS


def _sc_gather(table, idx):
    n = idx.shape[0]
    rows_per_w = n // _NW
    ch = 128
    n_ch = rows_per_w // ch
    idx3 = idx.reshape(_NW, n_ch, ch)

    mesh = plsc.VectorSubcoreMesh(core_axis_name="c", subcore_axis_name="s")

    @functools.partial(
        pl.kernel,
        out_type=jax.ShapeDtypeStruct((n, D_EMBED), jnp.float32),
        mesh=mesh,
        scratch_types=[
            pltpu.VMEM((n_ch, ch), jnp.int32),
            pltpu.VMEM((4, ch, D_EMBED), jnp.float32),
            pltpu.SemaphoreType.DMA,
            pltpu.SemaphoreType.DMA,
            pltpu.SemaphoreType.DMA,
            pltpu.SemaphoreType.DMA,
            pltpu.SemaphoreType.DMA,
            pltpu.SemaphoreType.DMA,
            pltpu.SemaphoreType.DMA,
            pltpu.SemaphoreType.DMA,
        ],
    )
    def gather_kernel(table_hbm, idx_hbm, out_hbm, idx_v, rows_v, *sems):
        g_sems, s_sems = sems[:4], sems[4:]
        wid = lax.axis_index("s") * _NC + lax.axis_index("c")
        base = wid * rows_per_w
        pltpu.sync_copy(idx_hbm.at[wid], idx_v)
        g_cp = [None] * 4
        s_cp = [None] * 4
        for c in range(n_ch):
            buf = c % 4
            if c >= 4:
                s_cp[buf].wait()
            g_cp[buf] = pltpu.async_copy(
                table_hbm.at[idx_v.at[c]], rows_v.at[buf], g_sems[buf]
            )
            d = c - 3
            if d >= 0:
                dbuf = d % 4
                g_cp[dbuf].wait()
                s_cp[dbuf] = pltpu.async_copy(
                    rows_v.at[dbuf],
                    out_hbm.at[pl.ds(base + d * ch, ch)],
                    s_sems[dbuf],
                )
        for d in range(n_ch - 3, n_ch):
            dbuf = d % 4
            g_cp[dbuf].wait()
            s_cp[dbuf] = pltpu.async_copy(
                rows_v.at[dbuf],
                out_hbm.at[pl.ds(base + d * ch, ch)],
                s_sems[dbuf],
            )
        for d in range(n_ch - 4, n_ch):
            s_cp[d % 4].wait()

    return gather_kernel(table, idx3)


def _tc_dense(emb, wt, b, gamma, beta, n_total, row0, prev=None):
    n = emb.shape[0]
    tile = 2048
    sub = 512
    grid = n // tile
    blk0 = row0 // tile
    scale = math.sqrt(float(D_MODEL))

    def body(e_ref, wt_ref, b_ref, g_ref, bt_ref, *rest):
        if prev is None:
            o_ref, s_ref, c_ref = rest
        else:
            _, o_ref, s_ref, c_ref = rest
        li = pl.program_id(0)
        i = li + blk0
        col = lax.broadcasted_iota(jnp.int32, (1, D_MODEL), 1)
        odd = col % 2
        ceven = (col - odd).astype(jnp.float32)
        freq = jnp.exp(-ceven / float(D_MODEL) * 4.0 * math.log(10.0))

        @pl.when(li == 0)
        def _():
            r = lax.broadcasted_iota(jnp.int32, (sub, 1), 0).astype(jnp.float32)
            ang = r * freq
            s_ref[...] = jnp.sin(ang)
            c_ref[...] = jnp.cos(ang)

        h = lax.dot_general(
            e_ref[...],
            wt_ref[...],
            (((1,), (1,)), ((), ())),
            preferred_element_type=jnp.float32,
        )
        h = (h + b_ref[...]) * scale

        is_odd = odd == 1
        pes = []
        for k in range(tile // sub):
            pos0 = jnp.float32((i * tile + k * sub) % SEQ)
            ang0 = pos0 * freq
            s0 = jnp.sin(ang0)
            c0 = jnp.cos(ang0)
            sa = jnp.where(is_odd, c0, s0)
            ca = jnp.where(is_odd, -s0, c0)
            pes.append(sa * c_ref[...] + ca * s_ref[...])
        h = h + jnp.concatenate(pes, axis=0)

        m = jnp.mean(h, axis=1, keepdims=True)
        d = h - m
        v = jnp.mean(d * d, axis=1, keepdims=True)
        o_ref[...] = d * lax.rsqrt(v + 1e-5) * g_ref[...] + bt_ref[...]

    in_specs = [
        pl.BlockSpec((tile, D_EMBED), lambda i: (i, 0)),
        pl.BlockSpec((D_MODEL, D_EMBED), lambda i: (0, 0)),
        pl.BlockSpec((1, D_MODEL), lambda i: (0, 0)),
        pl.BlockSpec((1, D_MODEL), lambda i: (0, 0)),
        pl.BlockSpec((1, D_MODEL), lambda i: (0, 0)),
    ]
    args = [emb, wt, b, gamma, beta]
    kwargs = {}
    if prev is not None:
        in_specs.append(pl.BlockSpec(memory_space=pl.ANY))
        args.append(prev)
        kwargs["input_output_aliases"] = {5: 0}

    def out_map(i, _blk0=blk0):
        return (i + _blk0, 0)

    return pl.pallas_call(
        body,
        grid=(grid,),
        in_specs=in_specs,
        out_specs=pl.BlockSpec((tile, D_MODEL), out_map),
        out_shape=jax.ShapeDtypeStruct((n_total, D_MODEL), jnp.float32),
        scratch_shapes=[
            pltpu.VMEM((sub, D_MODEL), jnp.float32),
            pltpu.VMEM((sub, D_MODEL), jnp.float32),
        ],
        **kwargs,
    )(*args)


def kernel(x, table, W, b, gamma, beta):
    bsz, seq = x.shape
    idx = x.reshape(-1).astype(jnp.int32)
    n = idx.shape[0]
    wt = W
    b2 = b.reshape(1, D_MODEL)
    g2 = gamma.reshape(1, D_MODEL)
    bt2 = beta.reshape(1, D_MODEL)

    emb = _sc_gather(table, idx)
    out = _tc_dense(emb, wt, b2, g2, bt2, n, 0)
    return out.reshape(bsz, seq, D_MODEL)

# --- scband reference (transcript-rebuilt; emitter-appended) ---
"""Pipeline reference for scband-embedder-38233798869189 (READ-ONLY COPY).

The authoritative reference and input builder live on the scoring server;
editing this copy changes nothing except your own understanding.
"""

import jax, jax.numpy as jnp
import numpy as np
from math import log, sqrt

VOCAB = 100000
D_EMBED = 128
D_MODEL = 768
BATCH = 4
SEQ = 8192


def get_pos_encoding(batch_size, seq_length, d_model):
    dim = jnp.arange(0, d_model, 2).astype(jnp.float32)
    div_fac = jnp.exp(-dim / d_model * 4 * np.log(10.0))
    pos = jnp.arange(0, seq_length).astype(jnp.float32)[:, None]
    pe = jnp.zeros((seq_length, d_model), dtype=jnp.float32)
    pe = pe.at[:, 0::2].set(jnp.sin(pos * div_fac))
    pe = pe.at[:, 1::2].set(jnp.cos(pos * div_fac))
    pe = jnp.broadcast_to(pe[None, :, :], (batch_size, seq_length, d_model))
    return pe


def setup_inputs(seed: int = 0):
    key = jax.random.key(seed)
    k1, k2, k3, k4 = jax.random.split(key, 4)
    x = jax.random.randint(k1, (BATCH, SEQ), 0, VOCAB)
    table = jax.random.normal(k2, (VOCAB, D_EMBED), dtype=jnp.float32)
    W = jax.random.normal(k3, (D_MODEL, D_EMBED), dtype=jnp.float32) / sqrt(D_EMBED)
    b = jnp.zeros((D_MODEL,), dtype=jnp.float32)
    gamma = jnp.ones((D_MODEL,), dtype=jnp.float32)
    beta = jnp.zeros((D_MODEL,), dtype=jnp.float32)
    return {"x": x, "table": table, "W": W, "b": b, "gamma": gamma, "beta": beta}


def reference(x, table, W, b, gamma, beta):
    scaling_factor = sqrt(D_MODEL)
    # embedding lookup (gather)
    x_emb = jnp.take(table, x, axis=0)            # [B, S, d_embed]
    # linear projection + sqrt(d_model) scaling
    x_proj = (x_emb @ W.T + b) * scaling_factor   # [B, S, d_model]
    # sinusoidal positional encoding
    enc = get_pos_encoding(x.shape[0], x.shape[1], D_MODEL)
    # NOTE: original torch code has `x = x + enc` which is a shape bug
    # (int token ids [B,S] cannot broadcast with [B,S,d_model]); the clear
    # intent is adding positional encoding to the projected embeddings.
    h = x_proj + enc
    # dropout p=0.0 -> identity
    # LayerNorm over last dim
    mean = jnp.mean(h, axis=-1, keepdims=True)
    var = jnp.var(h, axis=-1, keepdims=True)
    out = (h - mean) / jnp.sqrt(var + 1e-5) * gamma + beta
    return out

if __name__ == "__main__":
    import jax
    _d = setup_inputs()
    print(jax.jit(kernel)(*tuple(_d.values())))

</pallas_src>

<mosaic_0001>
#map = affine_map<(d0, d1) -> (0, 0)>
#map1 = affine_map<(d0, d1) -> (0, 0, 0)>
module attributes {stable_mosaic.version = 14 : i64} {
  func.func @gather_kernel(%arg0: i32, %arg1: i32, %arg2: memref<100000x128xf32, #tpu.memory_space<hbm>>, %arg3: memref<32x8x128xi32, #tpu.memory_space<hbm>>, %arg4: memref<32768x128xf32, #tpu.memory_space<hbm>>, %arg5: memref<8x128xi32, #tpu.memory_space<vmem>>, %arg6: memref<4x128x128xf32, #tpu.memory_space<vmem>>, %arg7: memref<!tpu.dma_semaphore, #tpu.memory_space<semaphore_mem>>, %arg8: memref<!tpu.dma_semaphore, #tpu.memory_space<semaphore_mem>>, %arg9: memref<!tpu.dma_semaphore, #tpu.memory_space<semaphore_mem>>, %arg10: memref<!tpu.dma_semaphore, #tpu.memory_space<semaphore_mem>>, %arg11: memref<!tpu.dma_semaphore, #tpu.memory_space<semaphore_mem>>, %arg12: memref<!tpu.dma_semaphore, #tpu.memory_space<semaphore_mem>>, %arg13: memref<!tpu.dma_semaphore, #tpu.memory_space<semaphore_mem>>, %arg14: memref<!tpu.dma_semaphore, #tpu.memory_space<semaphore_mem>>) attributes {dimension_semantics = [#tpu.dimension_semantics<core_parallel>, #tpu.dimension_semantics<subcore_parallel>], iteration_bounds = array<i64: 2, 16>, scalar_prefetch = 0 : i64, scratch_operands = 10 : i64, tpu.core_type = #tpu.core_type<sc_vector_subcore>, window_params = [{transform_indices = #map}, {transform_indices = #map1}, {transform_indices = #map}]} {
    %mul3A = arith.constant 2 : i32
    %mul3A_0 = arith.muli %arg1, %mul3A : i32
    %add3A = arith.addi %mul3A_0, %arg0 : i32
    %mul3A_1 = arith.constant 1024 : i32
    %mul3A_2 = arith.muli %add3A, %mul3A_1 : i32
    "tpu.region"() ({
      %run_scoped3A = tpu.sem_alloc : memref<!tpu.dma_semaphore, #tpu.memory_space<semaphore_mem>>
      %dma_start3A_417 = arith.constant 0 : i32
      %dma_start3A_418 = arith.constant 0 : i32
      %dma_start3A_419 = tpu.memref_slice %arg3[%add3A, %dma_start3A_417, %dma_start3A_418] : memref<32x8x128xi32, #tpu.memory_space<hbm>> -> memref<1x8x128xi32, #tpu.memory_space<hbm>>
      %dma_start3A_420 = tpu.memref_squeeze %dma_start3A_419 : memref<1x8x128xi32, #tpu.memory_space<hbm>> -> memref<8x128xi32, #tpu.memory_space<hbm>>
      %dma_start3A_421 = arith.constant 0 : i32
      %dma_start3A_422 = arith.constant 0 : i32
      %dma_start3A_423 = tpu.memref_slice %arg3[%add3A, %dma_start3A_421, %dma_start3A_422] : memref<32x8x128xi32, #tpu.memory_space<hbm>> -> memref<1x8x128xi32, #tpu.memory_space<hbm>>
      %dma_start3A_424 = tpu.memref_squeeze %dma_start3A_423 : memref<1x8x128xi32, #tpu.memory_space<hbm>> -> memref<8x128xi32, #tpu.memory_space<hbm>>
      tpu.enqueue_dma source(%dma_start3A_424 : memref<8x128xi32, #tpu.memory_space<hbm>>) target(%arg5 : memref<8x128xi32, #tpu.memory_space<vmem>>) target_semaphore(%run_scoped3A : memref<!tpu.dma_semaphore, #tpu.memory_space<semaphore_mem>>)
      %dma_wait3A_425 = arith.constant 0 : i32
      %dma_wait3A_426 = arith.constant 0 : i32
      %dma_wait3A_427 = tpu.memref_slice %arg3[%add3A, %dma_wait3A_425, %dma_wait3A_426] : memref<32x8x128xi32, #tpu.memory_space<hbm>> -> memref<1x8x128xi32, #tpu.memory_space<hbm>>
      %dma_wait3A_428 = tpu.memref_squeeze %dma_wait3A_427 : memref<1x8x128xi32, #tpu.memory_space<hbm>> -> memref<8x128xi32, #tpu.memory_space<hbm>>
      %dma_wait3A_429 = arith.constant 0 : i32
      %dma_wait3A_430 = arith.constant 0 : i32
      %dma_wait3A_431 = tpu.memref_slice %arg3[%add3A, %dma_wait3A_429, %dma_wait3A_430] : memref<32x8x128xi32, #tpu.memory_space<hbm>> -> memref<1x8x128xi32, #tpu.memory_space<hbm>>
      %dma_wait3A_432 = tpu.memref_squeeze %dma_wait3A_431 : memref<1x8x128xi32, #tpu.memory_space<hbm>> -> memref<8x128xi32, #tpu.memory_space<hbm>>
      tpu.wait_dma2 semaphore(%run_scoped3A : memref<!tpu.dma_semaphore, #tpu.memory_space<semaphore_mem>>) src(%dma_wait3A_432 : memref<8x128xi32, #tpu.memory_space<hbm>>) dst(%arg5 : memref<8x128xi32, #tpu.memory_space<vmem>>)
      tpu.yield
    }) : () -> ()
    %dma_start3A = arith.constant 0 : i32
    %dma_start3A_3 = arith.constant 0 : i32
    %dma_start3A_4 = arith.constant 0 : i32
    %dma_start3A_5 = arith.constant 0 : i32
    %dma_start3A_6 = tpu.memref_slice %arg6[%dma_start3A_3, %dma_start3A_4, %dma_start3A_5] : memref<4x128x128xf32, #tpu.memory_space<vmem>> -> memref<1x128x128xf32, #tpu.memory_space<vmem>>
    %dma_start3A_7 = tpu.memref_squeeze %dma_start3A_6 : memref<1x128x128xf32, #tpu.memory_space<vmem>> -> memref<128x128xf32, #tpu.memory_space<vmem>>
    %dma_start3A_8 = arith.constant 0 : i32
    %dma_start3A_9 = tpu.memref_slice %arg5[%dma_start3A, %dma_start3A_8] : memref<8x128xi32, #tpu.memory_space<vmem>> -> memref<1x128xi32, #tpu.memory_space<vmem>>
    %dma_start3A_10 = tpu.memref_squeeze %dma_start3A_9 : memref<1x128xi32, #tpu.memory_space<vmem>> -> memref<128xi32, #tpu.memory_space<vmem>>
    %dma_start3A_11 = arith.constant 0 : i32
    %dma_start3A_12 = arith.constant 0 : i32
    %dma_start3A_13 = tpu.memref_slice %arg2[%dma_start3A_11, %dma_start3A_12] : memref<100000x128xf32, #tpu.memory_space<hbm>> -> memref<100000x128xf32, #tpu.memory_space<hbm>>
    tpu.enqueue_indirect_dma source(%dma_start3A_13 : memref<100000x128xf32, #tpu.memory_space<hbm>>) target(%dma_start3A_7 : memref<128x128xf32, #tpu.memory_space<vmem>>) offsets(%dma_start3A_10 : memref<128xi32, #tpu.memory_space<vmem>>) semaphore(%arg7 : memref<!tpu.dma_semaphore, #tpu.memory_space<semaphore_mem>>)
    %dma_start3A_14 = arith.constant 1 : i32
    %dma_start3A_15 = arith.constant 1 : i32
    %dma_start3A_16 = arith.constant 0 : i32
    %dma_start3A_17 = arith.constant 0 : i32
    %dma_start3A_18 = tpu.memref_slice %arg6[%dma_start3A_15, %dma_start3A_16, %dma_start3A_17] : memref<4x128x128xf32, #tpu.memory_space<vmem>> -> memref<1x128x128xf32, #tpu.memory_space<vmem>>
    %dma_start3A_19 = tpu.memref_squeeze %dma_start3A_18 : memref<1x128x128xf32, #tpu.memory_space<vmem>> -> memref<128x128xf32, #tpu.memory_space<vmem>>
    %dma_start3A_20 = arith.constant 0 : i32
    %dma_start3A_21 = tpu.memref_slice %arg5[%dma_start3A_14, %dma_start3A_20] : memref<8x128xi32, #tpu.memory_space<vmem>> -> memref<1x128xi32, #tpu.memory_space<vmem>>
    %dma_start3A_22 = tpu.memref_squeeze %dma_start3A_21 : memref<1x128xi32, #tpu.memory_space<vmem>> -> memref<128xi32, #tpu.memory_space<vmem>>
    %dma_start3A_23 = arith.constant 0 : i32
    %dma_start3A_24 = arith.constant 0 : i32
    %dma_start3A_25 = tpu.memref_slice %arg2[%dma_start3A_23, %dma_start3A_24] : memref<100000x128xf32, #tpu.memory_space<hbm>> -> memref<100000x128xf32, #tpu.memory_space<hbm>>
    tpu.enqueue_indirect_dma source(%dma_start3A_25 : memref<100000x128xf32, #tpu.memory_space<hbm>>) target(%dma_start3A_19 : memref<128x128xf32, #tpu.memory_space<vmem>>) offsets(%dma_start3A_22 : memref<128xi32, #tpu.memory_space<vmem>>) semaphore(%arg8 : memref<!tpu.dma_semaphore, #tpu.memory_space<semaphore_mem>>)
    %dma_start3A_26 = arith.constant 2 : i32
    %dma_start3A_27 = arith.constant 2 : i32
    %dma_start3A_28 = arith.constant 0 : i32
    %dma_start3A_29 = arith.constant 0 : i32
    %dma_start3A_30 = tpu.memref_slice %arg6[%dma_start3A_27, %dma_start3A_28, %dma_start3A_29] : memref<4x128x128xf32, #tpu.memory_space<vmem>> -> memref<1x128x128xf32, #tpu.memory_space<vmem>>
    %dma_start3A_31 = tpu.memref_squeeze %dma_start3A_30 : memref<1x128x128xf32, #tpu.memory_space<vmem>> -> memref<128x128xf32, #tpu.memory_space<vmem>>
    %dma_start3A_32 = arith.constant 0 : i32
    %dma_start3A_33 = tpu.memref_slice %arg5[%dma_start3A_26, %dma_start3A_32] : memref<8x128xi32, #tpu.memory_space<vmem>> -> memref<1x128xi32, #tpu.memory_space<vmem>>
    %dma_start3A_34 = tpu.memref_squeeze %dma_start3A_33 : memref<1x128xi32, #tpu.memory_space<vmem>> -> memref<128xi32, #tpu.memory_space<vmem>>
    %dma_start3A_35 = arith.constant 0 : i32
    %dma_start3A_36 = arith.constant 0 : i32
    %dma_start3A_37 = tpu.memref_slice %arg2[%dma_start3A_35, %dma_start3A_36] : memref<100000x128xf32, #tpu.memory_space<hbm>> -> memref<100000x128xf32, #tpu.memory_space<hbm>>
    tpu.enqueue_indirect_dma source(%dma_start3A_37 : memref<100000x128xf32, #tpu.memory_space<hbm>>) target(%dma_start3A_31 : memref<128x128xf32, #tpu.memory_space<vmem>>) offsets(%dma_start3A_34 : memref<128xi32, #tpu.memory_space<vmem>>) semaphore(%arg9 : memref<!tpu.dma_semaphore, #tpu.memory_space<semaphore_mem>>)
    %dma_start3A_38 = arith.constant 3 : i32
    %dma_start3A_39 = arith.constant 3 : i32
    %dma_start3A_40 = arith.constant 0 : i32
    %dma_start3A_41 = arith.constant 0 : i32
    %dma_start3A_42 = tpu.memref_slice %arg6[%dma_start3A_39, %dma_start3A_40, %dma_start3A_41] : memref<4x128x128xf32, #tpu.memory_space<vmem>> -> memref<1x128x128xf32, #tpu.memory_space<vmem>>
    %dma_start3A_43 = tpu.memref_squeeze %dma_start3A_42 : memref<1x128x128xf32, #tpu.memory_space<vmem>> -> memref<128x128xf32, #tpu.memory_space<vmem>>
    %dma_start3A_44 = arith.constant 0 : i32
    %dma_start3A_45 = tpu.memref_slice %arg5[%dma_start3A_38, %dma_start3A_44] : memref<8x128xi32, #tpu.memory_space<vmem>> -> memref<1x128xi32, #tpu.memory_space<vmem>>
    %dma_start3A_46 = tpu.memref_squeeze %dma_start3A_45 : memref<1x128xi32, #tpu.memory_space<vmem>> -> memref<128xi32, #tpu.memory_space<vmem>>
    %dma_start3A_47 = arith.constant 0 : i32
    %dma_start3A_48 = arith.constant 0 : i32
    %dma_start3A_49 = tpu.memref_slice %arg2[%dma_start3A_47, %dma_start3A_48] : memref<100000x128xf32, #tpu.memory_space<hbm>> -> memref<100000x128xf32, #tpu.memory_space<hbm>>
    tpu.enqueue_indirect_dma source(%dma_start3A_49 : memref<100000x128xf32, #tpu.memory_space<hbm>>) target(%dma_start3A_43 : memref<128x128xf32, #tpu.memory_space<vmem>>) offsets(%dma_start3A_46 : memref<128xi32, #tpu.memory_space<vmem>>) semaphore(%arg10 : memref<!tpu.dma_semaphore, #tpu.memory_space<semaphore_mem>>)
    %dma_wait3A = arith.constant 0 : i32
    %dma_wait3A_50 = arith.constant 0 : i32
    %dma_wait3A_51 = arith.constant 0 : i32
    %dma_wait3A_52 = arith.constant 0 : i32
    %dma_wait3A_53 = tpu.memref_slice %arg6[%dma_wait3A_50, %dma_wait3A_51, %dma_wait3A_52] : memref<4x128x128xf32, #tpu.memory_space<vmem>> -> memref<1x128x128xf32, #tpu.memory_space<vmem>>
    %dma_wait3A_54 = tpu.memref_squeeze %dma_wait3A_53 : memref<1x128x128xf32, #tpu.memory_space<vmem>> -> memref<128x128xf32, #tpu.memory_space<vmem>>
    %dma_wait3A_55 = arith.constant 0 : i32
    %dma_wait3A_56 = tpu.memref_slice %arg5[%dma_wait3A, %dma_wait3A_55] : memref<8x128xi32, #tpu.memory_space<vmem>> -> memref<1x128xi32, #tpu.memory_space<vmem>>
    %dma_wait3A_57 = tpu.memref_squeeze %dma_wait3A_56 : memref<1x128xi32, #tpu.memory_space<vmem>> -> memref<128xi32, #tpu.memory_space<vmem>>
    %dma_wait3A_58 = arith.constant 0 : i32
    %dma_wait3A_59 = arith.constant 0 : i32
    %dma_wait3A_60 = tpu.memref_slice %arg2[%dma_wait3A_58, %dma_wait3A_59] : memref<100000x128xf32, #tpu.memory_space<hbm>> -> memref<100000x128xf32, #tpu.memory_space<hbm>>
    tpu.wait_indirect_dma semaphore(%arg7 : memref<!tpu.dma_semaphore, #tpu.memory_space<semaphore_mem>>) src(%dma_wait3A_60 : memref<100000x128xf32, #tpu.memory_space<hbm>>) dst(%dma_wait3A_54 : memref<128x128xf32, #tpu.memory_space<vmem>>)
    %add3A_61 = arith.constant 0 : i32
    %add3A_62 = arith.addi %mul3A_2, %add3A_61 : i32
    %dma_start3A_63 = arith.constant 0 : i32
    %dma_start3A_64 = arith.constant 0 : i32
    %dma_start3A_65 = arith.constant 0 : i32
    %dma_start3A_66 = tpu.memref_slice %arg6[%dma_start3A_63, %dma_start3A_64, %dma_start3A_65] : memref<4x128x128xf32, #tpu.memory_space<vmem>> -> memref<1x128x128xf32, #tpu.memory_space<vmem>>
    %dma_start3A_67 = tpu.memref_squeeze %dma_start3A_66 : memref<1x128x128xf32, #tpu.memory_space<vmem>> -> memref<128x128xf32, #tpu.memory_space<vmem>>
    %dma_start3A_68 = arith.constant 0 : i32
    %dma_start3A_69 = tpu.memref_slice %arg4[%add3A_62, %dma_start3A_68] : memref<32768x128xf32, #tpu.memory_space<hbm>> -> memref<128x128xf32, #tpu.memory_space<hbm>>
    %dma_start3A_70 = arith.constant 0 : i32
    %dma_start3A_71 = tpu.memref_slice %arg4[%add3A_62, %dma_start3A_70] : memref<32768x128xf32, #tpu.memory_space<hbm>> -> memref<128x128xf32, #tpu.memory_space<hbm>>
    %dma_start3A_72 = arith.constant 0 : i32
    %dma_start3A_73 = arith.constant 0 : i32
    %dma_start3A_74 = tpu.memref_slice %arg6[%dma_start3A_63, %dma_start3A_72, %dma_start3A_73] : memref<4x128x128xf32, #tpu.memory_space<vmem>> -> memref<1x128x128xf32, #tpu.memory_space<vmem>>
    %dma_start3A_75 = tpu.memref_squeeze %dma_start3A_74 : memref<1x128x128xf32, #tpu.memory_space<vmem>> -> memref<128x128xf32, #tpu.memory_space<vmem>>
    tpu.enqueue_dma source(%dma_start3A_75 : memref<128x128xf32, #tpu.memory_space<vmem>>) target(%dma_start3A_71 : memref<128x128xf32, #tpu.memory_space<hbm>>) target_semaphore(%arg11 : memref<!tpu.dma_semaphore, #tpu.memory_space<semaphore_mem>>)
    %dma_wait3A_76 = arith.constant 0 : i32
    %dma_wait3A_77 = arith.constant 0 : i32
    %dma_wait3A_78 = arith.constant 0 : i32
    %dma_wait3A_79 = tpu.memref_slice %arg6[%dma_wait3A_76, %dma_wait3A_77, %dma_wait3A_78] : memref<4x128x128xf32, #tpu.memory_space<vmem>> -> memref<1x128x128xf32, #tpu.memory_space<vmem>>
    %dma_wait3A_80 = tpu.memref_squeeze %dma_wait3A_79 : memref<1x128x128xf32, #tpu.memory_space<vmem>> -> memref<128x128xf32, #tpu.memory_space<vmem>>
    %dma_wait3A_81 = arith.constant 0 : i32
    %dma_wait3A_82 = tpu.memref_slice %arg4[%add3A_62, %dma_wait3A_81] : memref<32768x128xf32, #tpu.memory_space<hbm>> -> memref<128x128xf32, #tpu.memory_space<hbm>>
    %dma_wait3A_83 = arith.constant 0 : i32
    %dma_wait3A_84 = tpu.memref_slice %arg4[%add3A_62, %dma_wait3A_83] : memref<32768x128xf32, #tpu.memory_space<hbm>> -> memref<128x128xf32, #tpu.memory_space<hbm>>
    %dma_wait3A_85 = arith.constant 0 : i32
    %dma_wait3A_86 = arith.constant 0 : i32
    %dma_wait3A_87 = tpu.memref_slice %arg6[%dma_wait3A_76, %dma_wait3A_85, %dma_wait3A_86] : memref<4x128x128xf32, #tpu.memory_space<vmem>> -> memref<1x128x128xf32, #tpu.memory_space<vmem>>
    %dma_wait3A_88 = tpu.memref_squeeze %dma_wait3A_87 : memref<1x128x128xf32, #tpu.memory_space<vmem>> -> memref<128x128xf32, #tpu.memory_space<vmem>>
    tpu.wait_dma2 semaphore(%arg11 : memref<!tpu.dma_semaphore, #tpu.memory_space<semaphore_mem>>) src(%dma_wait3A_88 : memref<128x128xf32, #tpu.memory_space<vmem>>) dst(%dma_wait3A_84 : memref<128x128xf32, #tpu.memory_space<hbm>>)
    %dma_start3A_89 = arith.constant 4 : i32
    %dma_start3A_90 = arith.constant 0 : i32
    %dma_start3A_91 = arith.constant 0 : i32
    %dma_start3A_92 = arith.constant 0 : i32
    %dma_start3A_93 = tpu.memref_slice %arg6[%dma_start3A_90, %dma_start3A_91, %dma_start3A_92] : memref<4x128x128xf32, #tpu.memory_space<vmem>> -> memref<1x128x128xf32, #tpu.memory_space<vmem>>
    %dma_start3A_94 = tpu.memref_squeeze %dma_start3A_93 : memref<1x128x128xf32, #tpu.memory_space<vmem>> -> memref<128x128xf32, #tpu.memory_space<vmem>>
    %dma_start3A_95 = arith.constant 0 : i32
    %dma_start3A_96 = tpu.memref_slice %arg5[%dma_start3A_89, %dma_start3A_95] : memref<8x128xi32, #tpu.memory_space<vmem>> -> memref<1x128xi32, #tpu.memory_space<vmem>>
    %dma_start3A_97 = tpu.memref_squeeze %dma_start3A_96 : memref<1x128xi32, #tpu.memory_space<vmem>> -> memref<128xi32, #tpu.memory_space<vmem>>
    %dma_start3A_98 = arith.constant 0 : i32
    %dma_start3A_99 = arith.constant 0 : i32
    %dma_start3A_100 = tpu.memref_slice %arg2[%dma_start3A_98, %dma_start3A_99] : memref<100000x128xf32, #tpu.memory_space<hbm>> -> memref<100000x128xf32, #tpu.memory_space<hbm>>
    tpu.enqueue_indirect_dma source(%dma_start3A_100 : memref<100000x128xf32, #tpu.memory_space<hbm>>) target(%dma_start3A_94 : memref<128x128xf32, #tpu.memory_space<vmem>>) offsets(%dma_start3A_97 : memref<128xi32, #tpu.memory_space<vmem>>) semaphore(%arg7 : memref<!tpu.dma_semaphore, #tpu.memory_space<semaphore_mem>>)
    %dma_wait3A_101 = arith.constant 1 : i32
    %dma_wait3A_102 = arith.constant 1 : i32
    %dma_wait3A_103 = arith.constant 0 : i32
    %dma_wait3A_104 = arith.constant 0 : i32
    %dma_wait3A_105 = tpu.memref_slice %arg6[%dma_wait3A_102, %dma_wait3A_103, %dma_wait3A_104] : memref<4x128x128xf32, #tpu.memory_space<vmem>> -> memref<1x128x128xf32, #tpu.memory_space<vmem>>
    %dma_wait3A_106 = tpu.memref_squeeze %dma_wait3A_105 : memref<1x128x128xf32, #tpu.memory_space<vmem>> -> memref<128x128xf32, #tpu.memory_space<vmem>>
    %dma_wait3A_107 = arith.constant 0 : i32
    %dma_wait3A_108 = tpu.memref_slice %arg5[%dma_wait3A_101, %dma_wait3A_107] : memref<8x128xi32, #tpu.memory_space<vmem>> -> memref<1x128xi32, #tpu.memory_space<vmem>>
    %dma_wait3A_109 = tpu.memref_squeeze %dma_wait3A_108 : memref<1x128xi32, #tpu.memory_space<vmem>> -> memref<128xi32, #tpu.memory_space<vmem>>
    %dma_wait3A_110 = arith.constant 0 : i32
    %dma_wait3A_111 = arith.constant 0 : i32
    %dma_wait3A_112 = tpu.memref_slice %arg2[%dma_wait3A_110, %dma_wait3A_111] : memref<100000x128xf32, #tpu.memory_space<hbm>> -> memref<100000x128xf32, #tpu.memory_space<hbm>>
    tpu.wait_indirect_dma semaphore(%arg8 : memref<!tpu.dma_semaphore, #tpu.memory_space<semaphore_mem>>) src(%dma_wait3A_112 : memref<100000x128xf32, #tpu.memory_space<hbm>>) dst(%dma_wait3A_106 : memref<128x128xf32, #tpu.memory_space<vmem>>)
    %add3A_113 = arith.constant 128 : i32
    %add3A_114 = arith.addi %mul3A_2, %add3A_113 : i32
    %dma_start3A_115 = arith.constant 1 : i32
    %dma_start3A_116 = arith.constant 0 : i32
    %dma_start3A_117 = arith.constant 0 : i32
    %dma_start3A_118 = tpu.memref_slice %arg6[%dma_start3A_115, %dma_start3A_116, %dma_start3A_117] : memref<4x128x128xf32, #tpu.memory_space<vmem>> -> memref<1x128x128xf32, #tpu.memory_space<vmem>>
    %dma_start3A_119 = tpu.memref_squeeze %dma_start3A_118 : memref<1x128x128xf32, #tpu.memory_space<vmem>> -> memref<128x128xf32, #tpu.memory_space<vmem>>
    %dma_start3A_120 = arith.constant 0 : i32
    %dma_start3A_121 = tpu.memref_slice %arg4[%add3A_114, %dma_start3A_120] : memref<32768x128xf32, #tpu.memory_space<hbm>> -> memref<128x128xf32, #tpu.memory_space<hbm>>
    %dma_start3A_122 = arith.constant 0 : i32
    %dma_start3A_123 = tpu.memref_slice %arg4[%add3A_114, %dma_start3A_122] : memref<32768x128xf32, #tpu.memory_space<hbm>> -> memref<128x128xf32, #tpu.memory_space<hbm>>
    %dma_start3A_124 = arith.constant 0 : i32
    %dma_start3A_125 = arith.constant 0 : i32
    %dma_start3A_126 = tpu.memref_slice %arg6[%dma_start3A_115, %dma_start3A_124, %dma_start3A_125] : memref<4x128x128xf32, #tpu.memory_space<vmem>> -> memref<1x128x128xf32, #tpu.memory_space<vmem>>
    %dma_start3A_127 = tpu.memref_squeeze %dma_start3A_126 : memref<1x128x128xf32, #tpu.memory_space<vmem>> -> memref<128x128xf32, #tpu.memory_space<vmem>>
    tpu.enqueue_dma source(%dma_start3A_127 : memref<128x128xf32, #tpu.memory_space<vmem>>) target(%dma_start3A_123 : memref<128x128xf32, #tpu.memory_space<hbm>>) target_semaphore(%arg12 : memref<!tpu.dma_semaphore, #tpu.memory_space<semaphore_mem>>)
    %dma_wait3A_128 = arith.constant 1 : i32
    %dma_wait3A_129 = arith.constant 0 : i32
    %dma_wait3A_130 = arith.constant 0 : i32
    %dma_wait3A_131 = tpu.memref_slice %arg6[%dma_wait3A_128, %dma_wait3A_129, %dma_wait3A_130] : memref<4x128x128xf32, #tpu.memory_space<vmem>> -> memref<1x128x128xf32, #tpu.memory_space<vmem>>
    %dma_wait3A_132 = tpu.memref_squeeze %dma_wait3A_131 : memref<1x128x128xf32, #tpu.memory_space<vmem>> -> memref<128x128xf32, #tpu.memory_space<vmem>>
    %dma_wait3A_133 = arith.constant 0 : i32
    %dma_wait3A_134 = tpu.memref_slice %arg4[%add3A_114, %dma_wait3A_133] : memref<32768x128xf32, #tpu.memory_space<hbm>> -> memref<128x128xf32, #tpu.memory_space<hbm>>
    %dma_wait3A_135 = arith.constant 0 : i32
    %dma_wait3A_136 = tpu.memref_slice %arg4[%add3A_114, %dma_wait3A_135] : memref<32768x128xf32, #tpu.memory_space<hbm>> -> memref<128x128xf32, #tpu.memory_space<hbm>>
    %dma_wait3A_137 = arith.constant 0 : i32
    %dma_wait3A_138 = arith.constant 0 : i32
    %dma_wait3A_139 = tpu.memref_slice %arg6[%dma_wait3A_128, %dma_wait3A_137, %dma_wait3A_138] : memref<4x128x128xf32, #tpu.memory_space<vmem>> -> memref<1x128x128xf32, #tpu.memory_space<vmem>>
    %dma_wait3A_140 = tpu.memref_squeeze %dma_wait3A_139 : memref<1x128x128xf32, #tpu.memory_space<vmem>> -> memref<128x128xf32, #tpu.memory_space<vmem>>
    tpu.wait_dma2 semaphore(%arg12 : memref<!tpu.dma_semaphore, #tpu.memory_space<semaphore_mem>>) src(%dma_wait3A_140 : memref<128x128xf32, #tpu.memory_space<vmem>>) dst(%dma_wait3A_136 : memref<128x128xf32, #tpu.memory_space<hbm>>)
    %dma_start3A_141 = arith.constant 5 : i32
    %dma_start3A_142 = arith.constant 1 : i32
    %dma_start3A_143 = arith.constant 0 : i32
    %dma_start3A_144 = arith.constant 0 : i32
    %dma_start3A_145 = tpu.memref_slice %arg6[%dma_start3A_142, %dma_start3A_143, %dma_start3A_144] : memref<4x128x128xf32, #tpu.memory_space<vmem>> -> memref<1x128x128xf32, #tpu.memory_space<vmem>>
    %dma_start3A_146 = tpu.memref_squeeze %dma_start3A_145 : memref<1x128x128xf32, #tpu.memory_space<vmem>> -> memref<128x128xf32, #tpu.memory_space<vmem>>
    %dma_start3A_147 = arith.constant 0 : i32
    %dma_start3A_148 = tpu.memref_slice %arg5[%dma_start3A_141, %dma_start3A_147] : memref<8x128xi32, #tpu.memory_space<vmem>> -> memref<1x128xi32, #tpu.memory_space<vmem>>
    %dma_start3A_149 = tpu.memref_squeeze %dma_start3A_148 : memref<1x128xi32, #tpu.memory_space<vmem>> -> memref<128xi32, #tpu.memory_space<vmem>>
    %dma_start3A_150 = arith.constant 0 : i32
    %dma_start3A_151 = arith.constant 0 : i32
    %dma_start3A_152 = tpu.memref_slice %arg2[%dma_start3A_150, %dma_start3A_151] : memref<100000x128xf32, #tpu.memory_space<hbm>> -> memref<100000x128xf32, #tpu.memory_space<hbm>>
    tpu.enqueue_indirect_dma source(%dma_start3A_152 : memref<100000x128xf32, #tpu.memory_space<hbm>>) target(%dma_start3A_146 : memref<128x128xf32, #tpu.memory_space<vmem>>) offsets(%dma_start3A_149 : memref<128xi32, #tpu.memory_space<vmem>>) semaphore(%arg8 : memref<!tpu.dma_semaphore, #tpu.memory_space<semaphore_mem>>)
    %dma_wait3A_153 = arith.constant 2 : i32
    %dma_wait3A_154 = arith.constant 2 : i32
    %dma_wait3A_155 = arith.constant 0 : i32
    %dma_wait3A_156 = arith.constant 0 : i32
    %dma_wait3A_157 = tpu.memref_slice %arg6[%dma_wait3A_154, %dma_wait3A_155, %dma_wait3A_156] : memref<4x128x128xf32, #tpu.memory_space<vmem>> -> memref<1x128x128xf32, #tpu.memory_space<vmem>>
    %dma_wait3A_158 = tpu.memref_squeeze %dma_wait3A_157 : memref<1x128x128xf32, #tpu.memory_space<vmem>> -> memref<128x128xf32, #tpu.memory_space<vmem>>
    %dma_wait3A_159 = arith.constant 0 : i32
    %dma_wait3A_160 = tpu.memref_slice %arg5[%dma_wait3A_153, %dma_wait3A_159] : memref<8x128xi32, #tpu.memory_space<vmem>> -> memref<1x128xi32, #tpu.memory_space<vmem>>
    %dma_wait3A_161 = tpu.memref_squeeze %dma_wait3A_160 : memref<1x128xi32, #tpu.memory_space<vmem>> -> memref<128xi32, #tpu.memory_space<vmem>>
    %dma_wait3A_162 = arith.constant 0 : i32
    %dma_wait3A_163 = arith.constant 0 : i32
    %dma_wait3A_164 = tpu.memref_slice %arg2[%dma_wait3A_162, %dma_wait3A_163] : memref<100000x128xf32, #tpu.memory_space<hbm>> -> memref<100000x128xf32, #tpu.memory_space<hbm>>
    tpu.wait_indirect_dma semaphore(%arg9 : memref<!tpu.dma_semaphore, #tpu.memory_space<semaphore_mem>>) src(%dma_wait3A_164 : memref<100000x128xf32, #tpu.memory_space<hbm>>) dst(%dma_wait3A_158 : memref<128x128xf32, #tpu.memory_space<vmem>>)
    %add3A_165 = arith.constant 256 : i32
    %add3A_166 = arith.addi %mul3A_2, %add3A_165 : i32
    %dma_start3A_167 = arith.constant 2 : i32
    %dma_start3A_168 = arith.constant 0 : i32
    %dma_start3A_169 = arith.constant 0 : i32
    %dma_start3A_170 = tpu.memref_slice %arg6[%dma_start3A_167, %dma_start3A_168, %dma_start3A_169] : memref<4x128x128xf32, #tpu.memory_space<vmem>> -> memref<1x128x128xf32, #tpu.memory_space<vmem>>
    %dma_start3A_171 = tpu.memref_squeeze %dma_start3A_170 : memref<1x128x128xf32, #tpu.memory_space<vmem>> -> memref<128x128xf32, #tpu.memory_space<vmem>>
    %dma_start3A_172 = arith.constant 0 : i32
    %dma_start3A_173 = tpu.memref_slice %arg4[%add3A_166, %dma_start3A_172] : memref<32768x128xf32, #tpu.memory_space<hbm>> -> memref<128x128xf32, #tpu.memory_space<hbm>>
    %dma_start3A_174 = arith.constant 0 : i32
    %dma_start3A_175 = tpu.memref_slice %arg4[%add3A_166, %dma_start3A_174] : memref<32768x128xf32, #tpu.memory_space<hbm>> -> memref<128x128xf32, #tpu.memory_space<hbm>>
    %dma_start3A_176 = arith.constant 0 : i32
    %dma_start3A_177 = arith.constant 0 : i32
    %dma_start3A_178 = tpu.memref_slice %arg6[%dma_start3A_167, %dma_start3A_176, %dma_start3A_177] : memref<4x128x128xf32, #tpu.memory_space<vmem>> -> memref<1x128x128xf32, #tpu.memory_space<vmem>>
    %dma_start3A_179 = tpu.memref_squeeze %dma_start3A_178 : memref<1x128x128xf32, #tpu.memory_space<vmem>> -> memref<128x128xf32, #tpu.memory_space<vmem>>
    tpu.enqueue_dma source(%dma_start3A_179 : memref<128x128xf32, #tpu.memory_space<vmem>>) target(%dma_start3A_175 : memref<128x128xf32, #tpu.memory_space<hbm>>) target_semaphore(%arg13 : memref<!tpu.dma_semaphore, #tpu.memory_space<semaphore_mem>>)
    %dma_wait3A_180 = arith.constant 2 : i32
    %dma_wait3A_181 = arith.constant 0 : i32
    %dma_wait3A_182 = arith.constant 0 : i32
    %dma_wait3A_183 = tpu.memref_slice %arg6[%dma_wait3A_180, %dma_wait3A_181, %dma_wait3A_182] : memref<4x128x128xf32, #tpu.memory_space<vmem>> -> memref<1x128x128xf32, #tpu.memory_space<vmem>>
    %dma_wait3A_184 = tpu.memref_squeeze %dma_wait3A_183 : memref<1x128x128xf32, #tpu.memory_space<vmem>> -> memref<128x128xf32, #tpu.memory_space<vmem>>
    %dma_wait3A_185 = arith.constant 0 : i32
    %dma_wait3A_186 = tpu.memref_slice %arg4[%add3A_166, %dma_wait3A_185] : memref<32768x128xf32, #tpu.memory_space<hbm>> -> memref<128x128xf32, #tpu.memory_space<hbm>>
    %dma_wait3A_187 = arith.constant 0 : i32
    %dma_wait3A_188 = tpu.memref_slice %arg4[%add3A_166, %dma_wait3A_187] : memref<32768x128xf32, #tpu.memory_space<hbm>> -> memref<128x128xf32, #tpu.memory_space<hbm>>
    %dma_wait3A_189 = arith.constant 0 : i32
    %dma_wait3A_190 = arith.constant 0 : i32
    %dma_wait3A_191 = tpu.memref_slice %arg6[%dma_wait3A_180, %dma_wait3A_189, %dma_wait3A_190] : memref<4x128x128xf32, #tpu.memory_space<vmem>> -> memref<1x128x128xf32, #tpu.memory_space<vmem>>
    %dma_wait3A_192 = tpu.memref_squeeze %dma_wait3A_191 : memref<1x128x128xf32, #tpu.memory_space<vmem>> -> memref<128x128xf32, #tpu.memory_space<vmem>>
    tpu.wait_dma2 semaphore(%arg13 : memref<!tpu.dma_semaphore, #tpu.memory_space<semaphore_mem>>) src(%dma_wait3A_192 : memref<128x128xf32, #tpu.memory_space<vmem>>) dst(%dma_wait3A_188 : memref<128x128xf32, #tpu.memory_space<hbm>>)
    %dma_start3A_193 = arith.constant 6 : i32
    %dma_start3A_194 = arith.constant 2 : i32
    %dma_start3A_195 = arith.constant 0 : i32
    %dma_start3A_196 = arith.constant 0 : i32
    %dma_start3A_197 = tpu.memref_slice %arg6[%dma_start3A_194, %dma_start3A_195, %dma_start3A_196] : memref<4x128x128xf32, #tpu.memory_space<vmem>> -> memref<1x128x128xf32, #tpu.memory_space<vmem>>
    %dma_start3A_198 = tpu.memref_squeeze %dma_start3A_197 : memref<1x128x128xf32, #tpu.memory_space<vmem>> -> memref<128x128xf32, #tpu.memory_space<vmem>>
    %dma_start3A_199 = arith.constant 0 : i32
    %dma_start3A_200 = tpu.memref_slice %arg5[%dma_start3A_193, %dma_start3A_199] : memref<8x128xi32, #tpu.memory_space<vmem>> -> memref<1x128xi32, #tpu.memory_space<vmem>>
    %dma_start3A_201 = tpu.memref_squeeze %dma_start3A_200 : memref<1x128xi32, #tpu.memory_space<vmem>> -> memref<128xi32, #tpu.memory_space<vmem>>
    %dma_start3A_202 = arith.constant 0 : i32
    %dma_start3A_203 = arith.constant 0 : i32
    %dma_start3A_204 = tpu.memref_slice %arg2[%dma_start3A_202, %dma_start3A_203] : memref<100000x128xf32, #tpu.memory_space<hbm>> -> memref<100000x128xf32, #tpu.memory_space<hbm>>
    tpu.enqueue_indirect_dma source(%dma_start3A_204 : memref<100000x128xf32, #tpu.memory_space<hbm>>) target(%dma_start3A_198 : memref<128x128xf32, #tpu.memory_space<vmem>>) offsets(%dma_start3A_201 : memref<128xi32, #tpu.memory_space<vmem>>) semaphore(%arg9 : memref<!tpu.dma_semaphore, #tpu.memory_space<semaphore_mem>>)
    %dma_wait3A_205 = arith.constant 3 : i32
    %dma_wait3A_206 = arith.constant 3 : i32
    %dma_wait3A_207 = arith.constant 0 : i32
    %dma_wait3A_208 = arith.constant 0 : i32
    %dma_wait3A_209 = tpu.memref_slice %arg6[%dma_wait3A_206, %dma_wait3A_207, %dma_wait3A_208] : memref<4x128x128xf32, #tpu.memory_space<vmem>> -> memref<1x128x128xf32, #tpu.memory_space<vmem>>
    %dma_wait3A_210 = tpu.memref_squeeze %dma_wait3A_209 : memref<1x128x128xf32, #tpu.memory_space<vmem>> -> memref<128x128xf32, #tpu.memory_space<vmem>>
    %dma_wait3A_211 = arith.constant 0 : i32
    %dma_wait3A_212 = tpu.memref_slice %arg5[%dma_wait3A_205, %dma_wait3A_211] : memref<8x128xi32, #tpu.memory_space<vmem>> -> memref<1x128xi32, #tpu.memory_space<vmem>>
    %dma_wait3A_213 = tpu.memref_squeeze %dma_wait3A_212 : memref<1x128xi32, #tpu.memory_space<vmem>> -> memref<128xi32, #tpu.memory_space<vmem>>
    %dma_wait3A_214 = arith.constant 0 : i32
    %dma_wait3A_215 = arith.constant 0 : i32
    %dma_wait3A_216 = tpu.memref_slice %arg2[%dma_wait3A_214, %dma_wait3A_215] : memref<100000x128xf32, #tpu.memory_space<hbm>> -> memref<100000x128xf32, #tpu.memory_space<hbm>>
    tpu.wait_indirect_dma semaphore(%arg10 : memref<!tpu.dma_semaphore, #tpu.memory_space<semaphore_mem>>) src(%dma_wait3A_216 : memref<100000x128xf32, #tpu.memory_space<hbm>>) dst(%dma_wait3A_210 : memref<128x128xf32, #tpu.memory_space<vmem>>)
    %add3A_217 = arith.constant 384 : i32
    %add3A_218 = arith.addi %mul3A_2, %add3A_217 : i32
    %dma_start3A_219 = arith.constant 3 : i32
    %dma_start3A_220 = arith.constant 0 : i32
    %dma_start3A_221 = arith.constant 0 : i32
    %dma_start3A_222 = tpu.memref_slice %arg6[%dma_start3A_219, %dma_start3A_220, %dma_start3A_221] : memref<4x128x128xf32, #tpu.memory_space<vmem>> -> memref<1x128x128xf32, #tpu.memory_space<vmem>>
    %dma_start3A_223 = tpu.memref_squeeze %dma_start3A_222 : memref<1x128x128xf32, #tpu.memory_space<vmem>> -> memref<128x128xf32, #tpu.memory_space<vmem>>
    %dma_start3A_224 = arith.constant 0 : i32
    %dma_start3A_225 = tpu.memref_slice %arg4[%add3A_218, %dma_start3A_224] : memref<32768x128xf32, #tpu.memory_space<hbm>> -> memref<128x128xf32, #tpu.memory_space<hbm>>
    %dma_start3A_226 = arith.constant 0 : i32
    %dma_start3A_227 = tpu.memref_slice %arg4[%add3A_218, %dma_start3A_226] : memref<32768x128xf32, #tpu.memory_space<hbm>> -> memref<128x128xf32, #tpu.memory_space<hbm>>
    %dma_start3A_228 = arith.constant 0 : i32
    %dma_start3A_229 = arith.constant 0 : i32
    %dma_start3A_230 = tpu.memref_slice %arg6[%dma_start3A_219, %dma_start3A_228, %dma_start3A_229] : memref<4x128x128xf32, #tpu.memory_space<vmem>> -> memref<1x128x128xf32, #tpu.memory_space<vmem>>
    %dma_start3A_231 = tpu.memref_squeeze %dma_start3A_230 : memref<1x128x128xf32, #tpu.memory_space<vmem>> -> memref<128x128xf32, #tpu.memory_space<vmem>>
    tpu.enqueue_dma source(%dma_start3A_231 : memref<128x128xf32, #tpu.memory_space<vmem>>) target(%dma_start3A_227 : memref<128x128xf32, #tpu.memory_space<hbm>>) target_semaphore(%arg14 : memref<!tpu.dma_semaphore, #tpu.memory_space<semaphore_mem>>)
    %dma_wait3A_232 = arith.constant 3 : i32
    %dma_wait3A_233 = arith.constant 0 : i32
    %dma_wait3A_234 = arith.constant 0 : i32
    %dma_wait3A_235 = tpu.memref_slice %arg6[%dma_wait3A_232, %dma_wait3A_233, %dma_wait3A_234] : memref<4x128x128xf32, #tpu.memory_space<vmem>> -> memref<1x128x128xf32, #tpu.memory_space<vmem>>
    %dma_wait3A_236 = tpu.memref_squeeze %dma_wait3A_235 : memref<1x128x128xf32, #tpu.memory_space<vmem>> -> memref<128x128xf32, #tpu.memory_space<vmem>>
    %dma_wait3A_237 = arith.constant 0 : i32
    %dma_wait3A_238 = tpu.memref_slice %arg4[%add3A_218, %dma_wait3A_237] : memref<32768x128xf32, #tpu.memory_space<hbm>> -> memref<128x128xf32, #tpu.memory_space<hbm>>
    %dma_wait3A_239 = arith.constant 0 : i32
    %dma_wait3A_240 = tpu.memref_slice %arg4[%add3A_218, %dma_wait3A_239] : memref<32768x128xf32, #tpu.memory_space<hbm>> -> memref<128x128xf32, #tpu.memory_space<hbm>>
    %dma_wait3A_241 = arith.constant 0 : i32
    %dma_wait3A_242 = arith.constant 0 : i32
    %dma_wait3A_243 = tpu.memref_slice %arg6[%dma_wait3A_232, %dma_wait3A_241, %dma_wait3A_242] : memref<4x128x128xf32, #tpu.memory_space<vmem>> -> memref<1x128x128xf32, #tpu.memory_space<vmem>>
    %dma_wait3A_244 = tpu.memref_squeeze %dma_wait3A_243 : memref<1x128x128xf32, #tpu.memory_space<vmem>> -> memref<128x128xf32, #tpu.memory_space<vmem>>
    tpu.wait_dma2 semaphore(%arg14 : memref<!tpu.dma_semaphore, #tpu.memory_space<semaphore_mem>>) src(%dma_wait3A_244 : memref<128x128xf32, #tpu.memory_space<vmem>>) dst(%dma_wait3A_240 : memref<128x128xf32, #tpu.memory_space<hbm>>)
    %dma_start3A_245 = arith.constant 7 : i32
    %dma_start3A_246 = arith.constant 3 : i32
    %dma_start3A_247 = arith.constant 0 : i32
    %dma_start3A_248 = arith.constant 0 : i32
    %dma_start3A_249 = tpu.memref_slice %arg6[%dma_start3A_246, %dma_start3A_247, %dma_start3A_248] : memref<4x128x128xf32, #tpu.memory_space<vmem>> -> memref<1x128x128xf32, #tpu.memory_space<vmem>>
    %dma_start3A_250 = tpu.memref_squeeze %dma_start3A_249 : memref<1x128x128xf32, #tpu.memory_space<vmem>> -> memref<128x128xf32, #tpu.memory_space<vmem>>
    %dma_start3A_251 = arith.constant 0 : i32
    %dma_start3A_252 = tpu.memref_slice %arg5[%dma_start3A_245, %dma_start3A_251] : memref<8x128xi32, #tpu.memory_space<vmem>> -> memref<1x128xi32, #tpu.memory_space<vmem>>
    %dma_start3A_253 = tpu.memref_squeeze %dma_start3A_252 : memref<1x128xi32, #tpu.memory_space<vmem>> -> memref<128xi32, #tpu.memory_space<vmem>>
    %dma_start3A_254 = arith.constant 0 : i32
    %dma_start3A_255 = arith.constant 0 : i32
    %dma_start3A_256 = tpu.memref_slice %arg2[%dma_start3A_254, %dma_start3A_255] : memref<100000x128xf32, #tpu.memory_space<hbm>> -> memref<100000x128xf32, #tpu.memory_space<hbm>>
    tpu.enqueue_indirect_dma source(%dma_start3A_256 : memref<100000x128xf32, #tpu.memory_space<hbm>>) target(%dma_start3A_250 : memref<128x128xf32, #tpu.memory_space<vmem>>) offsets(%dma_start3A_253 : memref<128xi32, #tpu.memory_space<vmem>>) semaphore(%arg10 : memref<!tpu.dma_semaphore, #tpu.memory_space<semaphore_mem>>)
    %dma_wait3A_257 = arith.constant 4 : i32
    %dma_wait3A_258 = arith.constant 0 : i32
    %dma_wait3A_259 = arith.constant 0 : i32
    %dma_wait3A_260 = arith.constant 0 : i32
    %dma_wait3A_261 = tpu.memref_slice %arg6[%dma_wait3A_258, %dma_wait3A_259, %dma_wait3A_260] : memref<4x128x128xf32, #tpu.memory_space<vmem>> -> memref<1x128x128xf32, #tpu.memory_space<vmem>>
    %dma_wait3A_262 = tpu.memref_squeeze %dma_wait3A_261 : memref<1x128x128xf32, #tpu.memory_space<vmem>> -> memref<128x128xf32, #tpu.memory_space<vmem>>
    %dma_wait3A_263 = arith.constant 0 : i32
    %dma_wait3A_264 = tpu.memref_slice %arg5[%dma_wait3A_257, %dma_wait3A_263] : memref<8x128xi32, #tpu.memory_space<vmem>> -> memref<1x128xi32, #tpu.memory_space<vmem>>
    %dma_wait3A_265 = tpu.memref_squeeze %dma_wait3A_264 : memref<1x128xi32, #tpu.memory_space<vmem>> -> memref<128xi32, #tpu.memory_space<vmem>>
    %dma_wait3A_266 = arith.constant 0 : i32
    %dma_wait3A_267 = arith.constant 0 : i32
    %dma_wait3A_268 = tpu.memref_slice %arg2[%dma_wait3A_266, %dma_wait3A_267] : memref<100000x128xf32, #tpu.memory_space<hbm>> -> memref<100000x128xf32, #tpu.memory_space<hbm>>
    tpu.wait_indirect_dma semaphore(%arg7 : memref<!tpu.dma_semaphore, #tpu.memory_space<semaphore_mem>>) src(%dma_wait3A_268 : memref<100000x128xf32, #tpu.memory_space<hbm>>) dst(%dma_wait3A_262 : memref<128x128xf32, #tpu.memory_space<vmem>>)
    %add3A_269 = arith.constant 512 : i32
    %add3A_270 = arith.addi %mul3A_2, %add3A_269 : i32
    %dma_start3A_271 = arith.constant 0 : i32
    %dma_start3A_272 = arith.constant 0 : i32
    %dma_start3A_273 = arith.constant 0 : i32
    %dma_start3A_274 = tpu.memref_slice %arg6[%dma_start3A_271, %dma_start3A_272, %dma_start3A_273] : memref<4x128x128xf32, #tpu.memory_space<vmem>> -> memref<1x128x128xf32, #tpu.memory_space<vmem>>
    %dma_start3A_275 = tpu.memref_squeeze %dma_start3A_274 : memref<1x128x128xf32, #tpu.memory_space<vmem>> -> memref<128x128xf32, #tpu.memory_space<vmem>>
    %dma_start3A_276 = arith.constant 0 : i32
    %dma_start3A_277 = tpu.memref_slice %arg4[%add3A_270, %dma_start3A_276] : memref<32768x128xf32, #tpu.memory_space<hbm>> -> memref<128x128xf32, #tpu.memory_space<hbm>>
    %dma_start3A_278 = arith.constant 0 : i32
    %dma_start3A_279 = tpu.memref_slice %arg4[%add3A_270, %dma_start3A_278] : memref<32768x128xf32, #tpu.memory_space<hbm>> -> memref<128x128xf32, #tpu.memory_space<hbm>>
    %dma_start3A_280 = arith.constant 0 : i32
    %dma_start3A_281 = arith.constant 0 : i32
    %dma_start3A_282 = tpu.memref_slice %arg6[%dma_start3A_271, %dma_start3A_280, %dma_start3A_281] : memref<4x128x128xf32, #tpu.memory_space<vmem>> -> memref<1x128x128xf32, #tpu.memory_space<vmem>>
    %dma_start3A_283 = tpu.memref_squeeze %dma_start3A_282 : memref<1x128x128xf32, #tpu.memory_space<vmem>> -> memref<128x128xf32, #tpu.memory_space<vmem>>
    tpu.enqueue_dma source(%dma_start3A_283 : memref<128x128xf32, #tpu.memory_space<vmem>>) target(%dma_start3A_279 : memref<128x128xf32, #tpu.memory_space<hbm>>) target_semaphore(%arg11 : memref<!tpu.dma_semaphore, #tpu.memory_space<semaphore_mem>>)
    %dma_wait3A_284 = arith.constant 5 : i32
    %dma_wait3A_285 = arith.constant 1 : i32
    %dma_wait3A_286 = arith.constant 0 : i32
    %dma_wait3A_287 = arith.constant 0 : i32
    %dma_wait3A_288 = tpu.memref_slice %arg6[%dma_wait3A_285, %dma_wait3A_286, %dma_wait3A_287] : memref<4x128x128xf32, #tpu.memory_space<vmem>> -> memref<1x128x128xf32, #tpu.memory_space<vmem>>
    %dma_wait3A_289 = tpu.memref_squeeze %dma_wait3A_288 : memref<1x128x128xf32, #tpu.memory_space<vmem>> -> memref<128x128xf32, #tpu.memory_space<vmem>>
    %dma_wait3A_290 = arith.constant 0 : i32
    %dma_wait3A_291 = tpu.memref_slice %arg5[%dma_wait3A_284, %dma_wait3A_290] : memref<8x128xi32, #tpu.memory_space<vmem>> -> memref<1x128xi32, #tpu.memory_space<vmem>>
    %dma_wait3A_292 = tpu.memref_squeeze %dma_wait3A_291 : memref<1x128xi32, #tpu.memory_space<vmem>> -> memref<128xi32, #tpu.memory_space<vmem>>
    %dma_wait3A_293 = arith.constant 0 : i32
    %dma_wait3A_294 = arith.constant 0 : i32
    %dma_wait3A_295 = tpu.memref_slice %arg2[%dma_wait3A_293, %dma_wait3A_294] : memref<100000x128xf32, #tpu.memory_space<hbm>> -> memref<100000x128xf32, #tpu.memory_space<hbm>>
    tpu.wait_indirect_dma semaphore(%arg8 : memref<!tpu.dma_semaphore, #tpu.memory_space<semaphore_mem>>) src(%dma_wait3A_295 : memref<100000x128xf32, #tpu.memory_space<hbm>>) dst(%dma_wait3A_289 : memref<128x128xf32, #tpu.memory_space<vmem>>)
    %add3A_296 = arith.constant 640 : i32
    %add3A_297 = arith.addi %mul3A_2, %add3A_296 : i32
    %dma_start3A_298 = arith.constant 1 : i32
    %dma_start3A_299 = arith.constant 0 : i32
    %dma_start3A_300 = arith.constant 0 : i32
    %dma_start3A_301 = tpu.memref_slice %arg6[%dma_start3A_298, %dma_start3A_299, %dma_start3A_300] : memref<4x128x128xf32, #tpu.memory_space<vmem>> -> memref<1x128x128xf32, #tpu.memory_space<vmem>>
    %dma_start3A_302 = tpu.memref_squeeze %dma_start3A_301 : memref<1x128x128xf32, #tpu.memory_space<vmem>> -> memref<128x128xf32, #tpu.memory_space<vmem>>
    %dma_start3A_303 = arith.constant 0 : i32
    %dma_start3A_304 = tpu.memref_slice %arg4[%add3A_297, %dma_start3A_303] : memref<32768x128xf32, #tpu.memory_space<hbm>> -> memref<128x128xf32, #tpu.memory_space<hbm>>
    %dma_start3A_305 = arith.constant 0 : i32
    %dma_start3A_306 = tpu.memref_slice %arg4[%add3A_297, %dma_start3A_305] : memref<32768x128xf32, #tpu.memory_space<hbm>> -> memref<128x128xf32, #tpu.memory_space<hbm>>
    %dma_start3A_307 = arith.constant 0 : i32
    %dma_start3A_308 = arith.constant 0 : i32
    %dma_start3A_309 = tpu.memref_slice %arg6[%dma_start3A_298, %dma_start3A_307, %dma_start3A_308] : memref<4x128x128xf32, #tpu.memory_space<vmem>> -> memref<1x128x128xf32, #tpu.memory_space<vmem>>
    %dma_start3A_310 = tpu.memref_squeeze %dma_start3A_309 : memref<1x128x128xf32, #tpu.memory_space<vmem>> -> memref<128x128xf32, #tpu.memory_space<vmem>>
    tpu.enqueue_dma source(%dma_start3A_310 : memref<128x128xf32, #tpu.memory_space<vmem>>) target(%dma_start3A_306 : memref<128x128xf32, #tpu.memory_space<hbm>>) target_semaphore(%arg12 : memref<!tpu.dma_semaphore, #tpu.memory_space<semaphore_mem>>)
    %dma_wait3A_311 = arith.constant 6 : i32
    %dma_wait3A_312 = arith.constant 2 : i32
    %dma_wait3A_313 = arith.constant 0 : i32
    %dma_wait3A_314 = arith.constant 0 : i32
    %dma_wait3A_315 = tpu.memref_slice %arg6[%dma_wait3A_312, %dma_wait3A_313, %dma_wait3A_314] : memref<4x128x128xf32, #tpu.memory_space<vmem>> -> memref<1x128x128xf32, #tpu.memory_space<vmem>>
    %dma_wait3A_316 = tpu.memref_squeeze %dma_wait3A_315 : memref<1x128x128xf32, #tpu.memory_space<vmem>> -> memref<128x128xf32, #tpu.memory_space<vmem>>
    %dma_wait3A_317 = arith.constant 0 : i32
    %dma_wait3A_318 = tpu.memref_slice %arg5[%dma_wait3A_311, %dma_wait3A_317] : memref<8x128xi32, #tpu.memory_space<vmem>> -> memref<1x128xi32, #tpu.memory_space<vmem>>
    %dma_wait3A_319 = tpu.memref_squeeze %dma_wait3A_318 : memref<1x128xi32, #tpu.memory_space<vmem>> -> memref<128xi32, #tpu.memory_space<vmem>>
    %dma_wait3A_320 = arith.constant 0 : i32
    %dma_wait3A_321 = arith.constant 0 : i32
    %dma_wait3A_322 = tpu.memref_slice %arg2[%dma_wait3A_320, %dma_wait3A_321] : memref<100000x128xf32, #tpu.memory_space<hbm>> -> memref<100000x128xf32, #tpu.memory_space<hbm>>
    tpu.wait_indirect_dma semaphore(%arg9 : memref<!tpu.dma_semaphore, #tpu.memory_space<semaphore_mem>>) src(%dma_wait3A_322 : memref<100000x128xf32, #tpu.memory_space<hbm>>) dst(%dma_wait3A_316 : memref<128x128xf32, #tpu.memory_space<vmem>>)
    %add3A_323 = arith.constant 768 : i32
    %add3A_324 = arith.addi %mul3A_2, %add3A_323 : i32
    %dma_start3A_325 = arith.constant 2 : i32
    %dma_start3A_326 = arith.constant 0 : i32
    %dma_start3A_327 = arith.constant 0 : i32
    %dma_start3A_328 = tpu.memref_slice %arg6[%dma_start3A_325, %dma_start3A_326, %dma_start3A_327] : memref<4x128x128xf32, #tpu.memory_space<vmem>> -> memref<1x128x128xf32, #tpu.memory_space<vmem>>
    %dma_start3A_329 = tpu.memref_squeeze %dma_start3A_328 : memref<1x128x128xf32, #tpu.memory_space<vmem>> -> memref<128x128xf32, #tpu.memory_space<vmem>>
    %dma_start3A_330 = arith.constant 0 : i32
    %dma_start3A_331 = tpu.memref_slice %arg4[%add3A_324, %dma_start3A_330] : memref<32768x128xf32, #tpu.memory_space<hbm>> -> memref<128x128xf32, #tpu.memory_space<hbm>>
    %dma_start3A_332 = arith.constant 0 : i32
    %dma_start3A_333 = tpu.memref_slice %arg4[%add3A_324, %dma_start3A_332] : memref<32768x128xf32, #tpu.memory_space<hbm>> -> memref<128x128xf32, #tpu.memory_space<hbm>>
    %dma_start3A_334 = arith.constant 0 : i32
    %dma_start3A_335 = arith.constant 0 : i32
    %dma_start3A_336 = tpu.memref_slice %arg6[%dma_start3A_325, %dma_start3A_334, %dma_start3A_335] : memref<4x128x128xf32, #tpu.memory_space<vmem>> -> memref<1x128x128xf32, #tpu.memory_space<vmem>>
    %dma_start3A_337 = tpu.memref_squeeze %dma_start3A_336 : memref<1x128x128xf32, #tpu.memory_space<vmem>> -> memref<128x128xf32, #tpu.memory_space<vmem>>
    tpu.enqueue_dma source(%dma_start3A_337 : memref<128x128xf32, #tpu.memory_space<vmem>>) target(%dma_start3A_333 : memref<128x128xf32, #tpu.memory_space<hbm>>) target_semaphore(%arg13 : memref<!tpu.dma_semaphore, #tpu.memory_space<semaphore_mem>>)
    %dma_wait3A_338 = arith.constant 7 : i32
    %dma_wait3A_339 = arith.constant 3 : i32
    %dma_wait3A_340 = arith.constant 0 : i32
    %dma_wait3A_341 = arith.constant 0 : i32
    %dma_wait3A_342 = tpu.memref_slice %arg6[%dma_wait3A_339, %dma_wait3A_340, %dma_wait3A_341] : memref<4x128x128xf32, #tpu.memory_space<vmem>> -> memref<1x128x128xf32, #tpu.memory_space<vmem>>
    %dma_wait3A_343 = tpu.memref_squeeze %dma_wait3A_342 : memref<1x128x128xf32, #tpu.memory_space<vmem>> -> memref<128x128xf32, #tpu.memory_space<vmem>>
    %dma_wait3A_344 = arith.constant 0 : i32
    %dma_wait3A_345 = tpu.memref_slice %arg5[%dma_wait3A_338, %dma_wait3A_344] : memref<8x128xi32, #tpu.memory_space<vmem>> -> memref<1x128xi32, #tpu.memory_space<vmem>>
    %dma_wait3A_346 = tpu.memref_squeeze %dma_wait3A_345 : memref<1x128xi32, #tpu.memory_space<vmem>> -> memref<128xi32, #tpu.memory_space<vmem>>
    %dma_wait3A_347 = arith.constant 0 : i32
    %dma_wait3A_348 = arith.constant 0 : i32
    %dma_wait3A_349 = tpu.memref_slice %arg2[%dma_wait3A_347, %dma_wait3A_348] : memref<100000x128xf32, #tpu.memory_space<hbm>> -> memref<100000x128xf32, #tpu.memory_space<hbm>>
    tpu.wait_indirect_dma semaphore(%arg10 : memref<!tpu.dma_semaphore, #tpu.memory_space<semaphore_mem>>) src(%dma_wait3A_349 : memref<100000x128xf32, #tpu.memory_space<hbm>>) dst(%dma_wait3A_343 : memref<128x128xf32, #tpu.memory_space<vmem>>)
    %add3A_350 = arith.constant 896 : i32
    %add3A_351 = arith.addi %mul3A_2, %add3A_350 : i32
    %dma_start3A_352 = arith.constant 3 : i32
    %dma_start3A_353 = arith.constant 0 : i32
    %dma_start3A_354 = arith.constant 0 : i32
    %dma_start3A_355 = tpu.memref_slice %arg6[%dma_start3A_352, %dma_start3A_353, %dma_start3A_354] : memref<4x128x128xf32, #tpu.memory_space<vmem>> -> memref<1x128x128xf32, #tpu.memory_space<vmem>>
    %dma_start3A_356 = tpu.memref_squeeze %dma_start3A_355 : memref<1x128x128xf32, #tpu.memory_space<vmem>> -> memref<128x128xf32, #tpu.memory_space<vmem>>
    %dma_start3A_357 = arith.constant 0 : i32
    %dma_start3A_358 = tpu.memref_slice %arg4[%add3A_351, %dma_start3A_357] : memref<32768x128xf32, #tpu.memory_space<hbm>> -> memref<128x128xf32, #tpu.memory_space<hbm>>
    %dma_start3A_359 = arith.constant 0 : i32
    %dma_start3A_360 = tpu.memref_slice %arg4[%add3A_351, %dma_start3A_359] : memref<32768x128xf32, #tpu.memory_space<hbm>> -> memref<128x128xf32, #tpu.memory_space<hbm>>
    %dma_start3A_361 = arith.constant 0 : i32
    %dma_start3A_362 = arith.constant 0 : i32
    %dma_start3A_363 = tpu.memref_slice %arg6[%dma_start3A_352, %dma_start3A_361, %dma_start3A_362] : memref<4x128x128xf32, #tpu.memory_space<vmem>> -> memref<1x128x128xf32, #tpu.memory_space<vmem>>
    %dma_start3A_364 = tpu.memref_squeeze %dma_start3A_363 : memref<1x128x128xf32, #tpu.memory_space<vmem>> -> memref<128x128xf32, #tpu.memory_space<vmem>>
    tpu.enqueue_dma source(%dma_start3A_364 : memref<128x128xf32, #tpu.memory_space<vmem>>) target(%dma_start3A_360 : memref<128x128xf32, #tpu.memory_space<hbm>>) target_semaphore(%arg14 : memref<!tpu.dma_semaphore, #tpu.memory_space<semaphore_mem>>)
    %dma_wait3A_365 = arith.constant 0 : i32
    %dma_wait3A_366 = arith.constant 0 : i32
    %dma_wait3A_367 = arith.constant 0 : i32
    %dma_wait3A_368 = tpu.memref_slice %arg6[%dma_wait3A_365, %dma_wait3A_366, %dma_wait3A_367] : memref<4x128x128xf32, #tpu.memory_space<vmem>> -> memref<1x128x128xf32, #tpu.memory_space<vmem>>
    %dma_wait3A_369 = tpu.memref_squeeze %dma_wait3A_368 : memref<1x128x128xf32, #tpu.memory_space<vmem>> -> memref<128x128xf32, #tpu.memory_space<vmem>>
    %dma_wait3A_370 = arith.constant 0 : i32
    %dma_wait3A_371 = tpu.memref_slice %arg4[%add3A_270, %dma_wait3A_370] : memref<32768x128xf32, #tpu.memory_space<hbm>> -> memref<128x128xf32, #tpu.memory_space<hbm>>
    %dma_wait3A_372 = arith.constant 0 : i32
    %dma_wait3A_373 = tpu.memref_slice %arg4[%add3A_270, %dma_wait3A_372] : memref<32768x128xf32, #tpu.memory_space<hbm>> -> memref<128x128xf32, #tpu.memory_space<hbm>>
    %dma_wait3A_374 = arith.constant 0 : i32
    %dma_wait3A_375 = arith.constant 0 : i32
    %dma_wait3A_376 = tpu.memref_slice %arg6[%dma_wait3A_365, %dma_wait3A_374, %dma_wait3A_375] : memref<4x128x128xf32, #tpu.memory_space<vmem>> -> memref<1x128x128xf32, #tpu.memory_space<vmem>>
    %dma_wait3A_377 = tpu.memref_squeeze %dma_wait3A_376 : memref<1x128x128xf32, #tpu.memory_space<vmem>> -> memref<128x128xf32, #tpu.memory_space<vmem>>
    tpu.wait_dma2 semaphore(%arg11 : memref<!tpu.dma_semaphore, #tpu.memory_space<semaphore_mem>>) src(%dma_wait3A_377 : memref<128x128xf32, #tpu.memory_space<vmem>>) dst(%dma_wait3A_373 : memref<128x128xf32, #tpu.memory_space<hbm>>)
    %dma_wait3A_378 = arith.constant 1 : i32
    %dma_wait3A_379 = arith.constant 0 : i32
    %dma_wait3A_380 = arith.constant 0 : i32
    %dma_wait3A_381 = tpu.memref_slice %arg6[%dma_wait3A_378, %dma_wait3A_379, %dma_wait3A_380] : memref<4x128x128xf32, #tpu.memory_space<vmem>> -> memref<1x128x128xf32, #tpu.memory_space<vmem>>
    %dma_wait3A_382 = tpu.memref_squeeze %dma_wait3A_381 : memref<1x128x128xf32, #tpu.memory_space<vmem>> -> memref<128x128xf32, #tpu.memory_space<vmem>>
    %dma_wait3A_383 = arith.constant 0 : i32
    %dma_wait3A_384 = tpu.memref_slice %arg4[%add3A_297, %dma_wait3A_383] : memref<32768x128xf32, #tpu.memory_space<hbm>> -> memref<128x128xf32, #tpu.memory_space<hbm>>
    %dma_wait3A_385 = arith.constant 0 : i32
    %dma_wait3A_386 = tpu.memref_slice %arg4[%add3A_297, %dma_wait3A_385] : memref<32768x128xf32, #tpu.memory_space<hbm>> -> memref<128x128xf32, #tpu.memory_space<hbm>>
    %dma_wait3A_387 = arith.constant 0 : i32
    %dma_wait3A_388 = arith.constant 0 : i32
    %dma_wait3A_389 = tpu.memref_slice %arg6[%dma_wait3A_378, %dma_wait3A_387, %dma_wait3A_388] : memref<4x128x128xf32, #tpu.memory_space<vmem>> -> memref<1x128x128xf32, #tpu.memory_space<vmem>>
    %dma_wait3A_390 = tpu.memref_squeeze %dma_wait3A_389 : memref<1x128x128xf32, #tpu.memory_space<vmem>> -> memref<128x128xf32, #tpu.memory_space<vmem>>
    tpu.wait_dma2 semaphore(%arg12 : memref<!tpu.dma_semaphore, #tpu.memory_space<semaphore_mem>>) src(%dma_wait3A_390 : memref<128x128xf32, #tpu.memory_space<vmem>>) dst(%dma_wait3A_386 : memref<128x128xf32, #tpu.memory_space<hbm>>)
    %dma_wait3A_391 = arith.constant 2 : i32
    %dma_wait3A_392 = arith.constant 0 : i32
    %dma_wait3A_393 = arith.constant 0 : i32
    %dma_wait3A_394 = tpu.memref_slice %arg6[%dma_wait3A_391, %dma_wait3A_392, %dma_wait3A_393] : memref<4x128x128xf32, #tpu.memory_space<vmem>> -> memref<1x128x128xf32, #tpu.memory_space<vmem>>
    %dma_wait3A_395 = tpu.memref_squeeze %dma_wait3A_394 : memref<1x128x128xf32, #tpu.memory_space<vmem>> -> memref<128x128xf32, #tpu.memory_space<vmem>>
    %dma_wait3A_396 = arith.constant 0 : i32
    %dma_wait3A_397 = tpu.memref_slice %arg4[%add3A_324, %dma_wait3A_396] : memref<32768x128xf32, #tpu.memory_space<hbm>> -> memref<128x128xf32, #tpu.memory_space<hbm>>
    %dma_wait3A_398 = arith.constant 0 : i32
    %dma_wait3A_399 = tpu.memref_slice %arg4[%add3A_324, %dma_wait3A_398] : memref<32768x128xf32, #tpu.memory_space<hbm>> -> memref<128x128xf32, #tpu.memory_space<hbm>>
    %dma_wait3A_400 = arith.constant 0 : i32
    %dma_wait3A_401 = arith.constant 0 : i32
    %dma_wait3A_402 = tpu.memref_slice %arg6[%dma_wait3A_391, %dma_wait3A_400, %dma_wait3A_401] : memref<4x128x128xf32, #tpu.memory_space<vmem>> -> memref<1x128x128xf32, #tpu.memory_space<vmem>>
    %dma_wait3A_403 = tpu.memref_squeeze %dma_wait3A_402 : memref<1x128x128xf32, #tpu.memory_space<vmem>> -> memref<128x128xf32, #tpu.memory_space<vmem>>
    tpu.wait_dma2 semaphore(%arg13 : memref<!tpu.dma_semaphore, #tpu.memory_space<semaphore_mem>>) src(%dma_wait3A_403 : memref<128x128xf32, #tpu.memory_space<vmem>>) dst(%dma_wait3A_399 : memref<128x128xf32, #tpu.memory_space<hbm>>)
    %dma_wait3A_404 = arith.constant 3 : i32
    %dma_wait3A_405 = arith.constant 0 : i32
    %dma_wait3A_406 = arith.constant 0 : i32
    %dma_wait3A_407 = tpu.memref_slice %arg6[%dma_wait3A_404, %dma_wait3A_405, %dma_wait3A_406] : memref<4x128x128xf32, #tpu.memory_space<vmem>> -> memref<1x128x128xf32, #tpu.memory_space<vmem>>
    %dma_wait3A_408 = tpu.memref_squeeze %dma_wait3A_407 : memref<1x128x128xf32, #tpu.memory_space<vmem>> -> memref<128x128xf32, #tpu.memory_space<vmem>>
    %dma_wait3A_409 = arith.constant 0 : i32
    %dma_wait3A_410 = tpu.memref_slice %arg4[%add3A_351, %dma_wait3A_409] : memref<32768x128xf32, #tpu.memory_space<hbm>> -> memref<128x128xf32, #tpu.memory_space<hbm>>
    %dma_wait3A_411 = arith.constant 0 : i32
    %dma_wait3A_412 = tpu.memref_slice %arg4[%add3A_351, %dma_wait3A_411] : memref<32768x128xf32, #tpu.memory_space<hbm>> -> memref<128x128xf32, #tpu.memory_space<hbm>>
    %dma_wait3A_413 = arith.constant 0 : i32
    %dma_wait3A_414 = arith.constant 0 : i32
    %dma_wait3A_415 = tpu.memref_slice %arg6[%dma_wait3A_404, %dma_wait3A_413, %dma_wait3A_414] : memref<4x128x128xf32, #tpu.memory_space<vmem>> -> memref<1x128x128xf32, #tpu.memory_space<vmem>>
    %dma_wait3A_416 = tpu.memref_squeeze %dma_wait3A_415 : memref<1x128x128xf32, #tpu.memory_space<vmem>> -> memref<128x128xf32, #tpu.memory_space<vmem>>
    tpu.wait_dma2 semaphore(%arg14 : memref<!tpu.dma_semaphore, #tpu.memory_space<semaphore_mem>>) src(%dma_wait3A_416 : memref<128x128xf32, #tpu.memory_space<vmem>>) dst(%dma_wait3A_412 : memref<128x128xf32, #tpu.memory_space<hbm>>)
    return
  }
}

module attributes {stable_mosaic.version = 14 : i64} {
  func.func @body(%arg0: i32, %arg1: memref<2048x128xf32, #tpu.memory_space<vmem>>, %arg2: memref<768x128xf32, #tpu.memory_space<vmem>>, %arg3: memref<1x768xf32, #tpu.memory_space<vmem>>, %arg4: memref<1x768xf32, #tpu.memory_space<vmem>>, %arg5: memref<1x768xf32, #tpu.memory_space<vmem>>, %arg6: memref<2048x768xf32, #tpu.memory_space<vmem>>, %arg7: memref<512x768xf32, #tpu.memory_space<vmem>>, %arg8: memref<512x768xf32, #tpu.memory_space<vmem>>) attributes {dimension_semantics = [#tpu.dimension_semantics<arbitrary>], iteration_bounds = array<i64: 16>, scalar_prefetch = 0 : i64, scratch_operands = 2 : i64, tpu.core_type = #tpu.core_type<tc>, window_params = [{transform_indices = @transform_0, window_bounds = array<i64: 2048, 128>}, {pipeline_mode = #tpu.pipeline_mode<synchronous>, transform_indices = @transform_1, window_bounds = array<i64: 768, 128>}, {pipeline_mode = #tpu.pipeline_mode<synchronous>, transform_indices = @transform_2, window_bounds = array<i64: 1, 768>}, {pipeline_mode = #tpu.pipeline_mode<synchronous>, transform_indices = @transform_3, window_bounds = array<i64: 1, 768>}, {pipeline_mode = #tpu.pipeline_mode<synchronous>, transform_indices = @transform_4, window_bounds = array<i64: 1, 768>}, {transform_indices = @transform_5, window_bounds = array<i64: 2048, 768>}]} {
    %add3A = arith.constant 0 : i32
    %add3A_0 = arith.addi %arg0, %add3A : i32
    %iota3A = tpu.iota {dimensions = array<i32: 1>} : vector<1x768xi32>
    %jit3A = arith.constant 2 : i32
    %eq3A = arith.constant 0 : i32
    %eq3A_1 = arith.cmpi eq, %jit3A, %eq3A : i32
    %jit3A_2 = arith.constant 1 : i32
    %select_n3A = arith.select %eq3A_1, %jit3A_2, %jit3A : i32
    %rem3A = vector.broadcast %select_n3A : i32 to vector<1x768xi32>
    %rem3A_3 = arith.remsi %iota3A, %rem3A : vector<1x768xi32>
    %ne3A = arith.constant 0 : i32
    %ne3A_4 = vector.broadcast %ne3A : i32 to vector<1x768xi32>
    %ne3A_5 = arith.cmpi ne, %rem3A_3, %ne3A_4 : vector<1x768xi32>
    %lt3A = arith.constant 0 : i32
    %lt3A_6 = vector.broadcast %lt3A : i32 to vector<1x768xi32>
    %lt3A_7 = arith.cmpi slt, %rem3A_3, %lt3A_6 : vector<1x768xi32>
    %lt3A_8 = arith.constant 0 : i32
    %lt3A_9 = arith.cmpi slt, %select_n3A, %lt3A_8 : i32
    %ne3A_10 = vector.broadcast %lt3A_9 : i1 to vector<1x768xi1>
    %ne3A_11 = vector.broadcast %ne3A_10 : vector<1x768xi1> to vector<1x768xi1>
    %ne3A_12 = arith.xori %lt3A_7, %ne3A_11 : vector<1x768xi1>
    %and3A = arith.andi %ne3A_12, %ne3A_5 : vector<1x768xi1>
    %add3A_13 = vector.broadcast %select_n3A : i32 to vector<1x768xi32>
    %add3A_14 = arith.addi %rem3A_3, %add3A_13 : vector<1x768xi32>
    %select_n3A_15 = arith.select %and3A, %add3A_14, %rem3A_3 : vector<1x768xi1>, vector<1x768xi32>
    %sub3A = arith.subi %iota3A, %select_n3A_15 : vector<1x768xi32>
    %convert_element_type3A = arith.sitofp %sub3A : vector<1x768xi32> to vector<1x768xf32>
    %neg3A = arith.constant 0.000000e+00 : f32
    %neg3A_16 = vector.broadcast %neg3A : f32 to vector<1x768xf32>
    %neg3A_17 = arith.subf %neg3A_16, %convert_element_type3A : vector<1x768xf32>
    %div3A = arith.constant 7.680000e+02 : f32
    %div3A_18 = vector.broadcast %div3A : f32 to vector<1x768xf32>
    %div3A_19 = arith.divf %neg3A_17, %div3A_18 : vector<1x768xf32>
    %mul3A = arith.constant 4.000000e+00 : f32
    %mul3A_20 = vector.broadcast %mul3A : f32 to vector<1x768xf32>
    %mul3A_21 = arith.mulf %div3A_19, %mul3A_20 : vector<1x768xf32>
    %mul3A_22 = arith.constant 2.30258512 : f32
    %mul3A_23 = vector.broadcast %mul3A_22 : f32 to vector<1x768xf32>
    %mul3A_24 = arith.mulf %mul3A_21, %mul3A_23 : vector<1x768xf32>
    %exp3A = math.exp %mul3A_24 : vector<1x768xf32>
    %eq3A_25 = arith.constant 0 : i32
    %eq3A_26 = arith.cmpi eq, %arg0, %eq3A_25 : i32
    %convert_element_type3A_27 = arith.extui %eq3A_26 : i1 to i32
    %cond3A = arith.constant 0 : i32
    %cond3A_28 = arith.cmpi ne, %convert_element_type3A_27, %cond3A : i32
    scf.if %cond3A_28 {
      %iota3A_239 = tpu.iota {dimensions = array<i32: 0>} : vector<512x1xi32>
      %convert_element_type3A_240 = arith.sitofp %iota3A_239 : vector<512x1xi32> to vector<512x1xf32>
      %mul3A_241 = vector.broadcast %convert_element_type3A_240 : vector<512x1xf32> to vector<512x768xf32>
      %mul3A_242 = vector.broadcast %exp3A : vector<1x768xf32> to vector<512x768xf32>
      %mul3A_243 = arith.mulf %mul3A_241, %mul3A_242 : vector<512x768xf32>
      %sin3A_244 = math.sin %mul3A_243 : vector<512x768xf32>
      %swap3A_245 = arith.constant 0 : index
      %swap3A_246 = arith.constant 0 : index
      %swap3A_247 = vector.load %arg7[%swap3A_245, %swap3A_246] : memref<512x768xf32, #tpu.memory_space<vmem>>, vector<512x768xf32>
      tpu.vector_store %arg7[%swap3A_245, %swap3A_246], %sin3A_244 {strides = array<i32>} : memref<512x768xf32, #tpu.memory_space<vmem>>, vector<512x768xf32>,
      %cos3A_248 = math.cos %mul3A_243 : vector<512x768xf32>
      %swap3A_249 = arith.constant 0 : index
      %swap3A_250 = arith.constant 0 : index
      %swap3A_251 = vector.load %arg8[%swap3A_249, %swap3A_250] : memref<512x768xf32, #tpu.memory_space<vmem>>, vector<512x768xf32>
      tpu.vector_store %arg8[%swap3A_249, %swap3A_250], %cos3A_248 {strides = array<i32>} : memref<512x768xf32, #tpu.memory_space<vmem>>, vector<512x768xf32>,
    } else {
    }
    %get3A = arith.constant 0 : index
    %get3A_29 = arith.constant 0 : index
    %get3A_30 = vector.load %arg1[%get3A, %get3A_29] : memref<2048x128xf32, #tpu.memory_space<vmem>>, vector<2048x128xf32>
    %get3A_31 = arith.constant 0 : index
    %get3A_32 = arith.constant 0 : index
    %get3A_33 = vector.load %arg2[%get3A_31, %get3A_32] : memref<768x128xf32, #tpu.memory_space<vmem>>, vector<768x128xf32>
    %dot_general3A = arith.constant dense<0.000000e+00> : vector<2048x768xf32>
    %dot_general3A_34 = tpu.matmul %get3A_30, %get3A_33, %dot_general3A {dimension_numbers = #tpu.dot_dimension_numbers<[1], [1], [0], [0], [0, 0, 1, 0], [], []>, transpose_lhs_hint = false} : vector<2048x128xf32>, vector<768x128xf32>, vector<2048x768xf32> -> vector<2048x768xf32>
    %get3A_35 = arith.constant 0 : index
    %get3A_36 = arith.constant 0 : index
    %get3A_37 = vector.load %arg3[%get3A_35, %get3A_36] : memref<1x768xf32, #tpu.memory_space<vmem>>, vector<1x768xf32>
    %add3A_38 = vector.broadcast %get3A_37 : vector<1x768xf32> to vector<2048x768xf32>
    %add3A_39 = arith.addf %dot_general3A_34, %add3A_38 : vector<2048x768xf32>
    %mul3A_40 = arith.constant 27.7128124 : f32
    %mul3A_41 = vector.broadcast %mul3A_40 : f32 to vector<2048x768xf32>
    %mul3A_42 = arith.mulf %add3A_39, %mul3A_41 : vector<2048x768xf32>
    %eq3A_43 = arith.constant 1 : i32
    %eq3A_44 = vector.broadcast %eq3A_43 : i32 to vector<1x768xi32>
    %eq3A_45 = arith.cmpi eq, %select_n3A_15, %eq3A_44 : vector<1x768xi32>
    %mul3A_46 = arith.constant 2048 : i32
    %mul3A_47 = arith.muli %add3A_0, %mul3A_46 : i32
    %add3A_48 = arith.constant 0 : i32
    %add3A_49 = arith.addi %mul3A_47, %add3A_48 : i32
    %jit3A_50 = arith.constant 8192 : i32
    %eq3A_51 = arith.constant 0 : i32
    %eq3A_52 = arith.cmpi eq, %jit3A_50, %eq3A_51 : i32
    %jit3A_53 = arith.constant 1 : i32
    %select_n3A_54 = arith.select %eq3A_52, %jit3A_53, %jit3A_50 : i32
    %rem3A_55 = arith.remsi %add3A_49, %select_n3A_54 : i32
    %ne3A_56 = arith.constant 0 : i32
    %ne3A_57 = arith.cmpi ne, %rem3A_55, %ne3A_56 : i32
    %lt3A_58 = arith.constant 0 : i32
    %lt3A_59 = arith.cmpi slt, %rem3A_55, %lt3A_58 : i32
    %lt3A_60 = arith.constant 0 : i32
    %lt3A_61 = arith.cmpi slt, %select_n3A_54, %lt3A_60 : i32
    %ne3A_62 = arith.xori %lt3A_59, %lt3A_61 : i1
    %and3A_63 = arith.andi %ne3A_62, %ne3A_57 : i1
    %add3A_64 = arith.addi %rem3A_55, %select_n3A_54 : i32
    %select_n3A_65 = arith.select %and3A_63, %add3A_64, %rem3A_55 : i32
    %convert_element_type3A_66 = arith.sitofp %select_n3A_65 : i32 to f32
    %mul3A_67 = vector.broadcast %convert_element_type3A_66 : f32 to vector<1x768xf32>
    %mul3A_68 = arith.mulf %mul3A_67, %exp3A : vector<1x768xf32>
    %sin3A = math.sin %mul3A_68 : vector<1x768xf32>
    %cos3A = math.cos %mul3A_68 : vector<1x768xf32>
    %select_n3A_69 = arith.select %eq3A_45, %cos3A, %sin3A : vector<1x768xi1>, vector<1x768xf32>
    %neg3A_70 = arith.constant 0.000000e+00 : f32
    %neg3A_71 = vector.broadcast %neg3A_70 : f32 to vector<1x768xf32>
    %neg3A_72 = arith.subf %neg3A_71, %sin3A : vector<1x768xf32>
    %select_n3A_73 = arith.select %eq3A_45, %neg3A_72, %cos3A : vector<1x768xi1>, vector<1x768xf32>
    %get3A_74 = arith.constant 0 : index
    %get3A_75 = arith.constant 0 : index
    %get3A_76 = vector.load %arg8[%get3A_74, %get3A_75] : memref<512x768xf32, #tpu.memory_space<vmem>>, vector<512x768xf32>
    %mul3A_77 = vector.broadcast %select_n3A_69 : vector<1x768xf32> to vector<512x768xf32>
    %mul3A_78 = arith.mulf %mul3A_77, %get3A_76 : vector<512x768xf32>
    %get3A_79 = arith.constant 0 : index
    %get3A_80 = arith.constant 0 : index
    %get3A_81 = vector.load %arg7[%get3A_79, %get3A_80] : memref<512x768xf32, #tpu.memory_space<vmem>>, vector<512x768xf32>
    %mul3A_82 = vector.broadcast %select_n3A_73 : vector<1x768xf32> to vector<512x768xf32>
    %mul3A_83 = arith.mulf %mul3A_82, %get3A_81 : vector<512x768xf32>
    %add3A_84 = arith.addf %mul3A_78, %mul3A_83 : vector<512x768xf32>
    %mul3A_85 = arith.constant 2048 : i32
    %mul3A_86 = arith.muli %add3A_0, %mul3A_85 : i32
    %add3A_87 = arith.constant 512 : i32
    %add3A_88 = arith.addi %mul3A_86, %add3A_87 : i32
    %jit3A_89 = arith.constant 8192 : i32
    %eq3A_90 = arith.constant 0 : i32
    %eq3A_91 = arith.cmpi eq, %jit3A_89, %eq3A_90 : i32
    %jit3A_92 = arith.constant 1 : i32
    %select_n3A_93 = arith.select %eq3A_91, %jit3A_92, %jit3A_89 : i32
    %rem3A_94 = arith.remsi %add3A_88, %select_n3A_93 : i32
    %ne3A_95 = arith.constant 0 : i32
    %ne3A_96 = arith.cmpi ne, %rem3A_94, %ne3A_95 : i32
    %lt3A_97 = arith.constant 0 : i32
    %lt3A_98 = arith.cmpi slt, %rem3A_94, %lt3A_97 : i32
    %lt3A_99 = arith.constant 0 : i32
    %lt3A_100 = arith.cmpi slt, %select_n3A_93, %lt3A_99 : i32
    %ne3A_101 = arith.xori %lt3A_98, %lt3A_100 : i1
    %and3A_102 = arith.andi %ne3A_101, %ne3A_96 : i1
    %add3A_103 = arith.addi %rem3A_94, %select_n3A_93 : i32
    %select_n3A_104 = arith.select %and3A_102, %add3A_103, %rem3A_94 : i32
    %convert_element_type3A_105 = arith.sitofp %select_n3A_104 : i32 to f32
    %mul3A_106 = vector.broadcast %convert_element_type3A_105 : f32 to vector<1x768xf32>
    %mul3A_107 = arith.mulf %mul3A_106, %exp3A : vector<1x768xf32>
    %sin3A_108 = math.sin %mul3A_107 : vector<1x768xf32>
    %cos3A_109 = math.cos %mul3A_107 : vector<1x768xf32>
    %select_n3A_110 = arith.select %eq3A_45, %cos3A_109, %sin3A_108 : vector<1x768xi1>, vector<1x768xf32>
    %neg3A_111 = arith.constant 0.000000e+00 : f32
    %neg3A_112 = vector.broadcast %neg3A_111 : f32 to vector<1x768xf32>
    %neg3A_113 = arith.subf %neg3A_112, %sin3A_108 : vector<1x768xf32>
    %select_n3A_114 = arith.select %eq3A_45, %neg3A_113, %cos3A_109 : vector<1x768xi1>, vector<1x768xf32>
    %get3A_115 = arith.constant 0 : index
    %get3A_116 = arith.constant 0 : index
    %get3A_117 = vector.load %arg8[%get3A_115, %get3A_116] : memref<512x768xf32, #tpu.memory_space<vmem>>, vector<512x768xf32>
    %mul3A_118 = vector.broadcast %select_n3A_110 : vector<1x768xf32> to vector<512x768xf32>
    %mul3A_119 = arith.mulf %mul3A_118, %get3A_117 : vector<512x768xf32>
    %get3A_120 = arith.constant 0 : index
    %get3A_121 = arith.constant 0 : index
    %get3A_122 = vector.load %arg7[%get3A_120, %get3A_121] : memref<512x768xf32, #tpu.memory_space<vmem>>, vector<512x768xf32>
    %mul3A_123 = vector.broadcast %select_n3A_114 : vector<1x768xf32> to vector<512x768xf32>
    %mul3A_124 = arith.mulf %mul3A_123, %get3A_122 : vector<512x768xf32>
    %add3A_125 = arith.addf %mul3A_119, %mul3A_124 : vector<512x768xf32>
    %mul3A_126 = arith.constant 2048 : i32
    %mul3A_127 = arith.muli %add3A_0, %mul3A_126 : i32
    %add3A_128 = arith.constant 1024 : i32
    %add3A_129 = arith.addi %mul3A_127, %add3A_128 : i32
    %jit3A_130 = arith.constant 8192 : i32
    %eq3A_131 = arith.constant 0 : i32
    %eq3A_132 = arith.cmpi eq, %jit3A_130, %eq3A_131 : i32
    %jit3A_133 = arith.constant 1 : i32
    %select_n3A_134 = arith.select %eq3A_132, %jit3A_133, %jit3A_130 : i32
    %rem3A_135 = arith.remsi %add3A_129, %select_n3A_134 : i32
    %ne3A_136 = arith.constant 0 : i32
    %ne3A_137 = arith.cmpi ne, %rem3A_135, %ne3A_136 : i32
    %lt3A_138 = arith.constant 0 : i32
    %lt3A_139 = arith.cmpi slt, %rem3A_135, %lt3A_138 : i32
    %lt3A_140 = arith.constant 0 : i32
    %lt3A_141 = arith.cmpi slt, %select_n3A_134, %lt3A_140 : i32
    %ne3A_142 = arith.xori %lt3A_139, %lt3A_141 : i1
    %and3A_143 = arith.andi %ne3A_142, %ne3A_137 : i1
    %add3A_144 = arith.addi %rem3A_135, %select_n3A_134 : i32
    %select_n3A_145 = arith.select %and3A_143, %add3A_144, %rem3A_135 : i32
    %convert_element_type3A_146 = arith.sitofp %select_n3A_145 : i32 to f32
    %mul3A_147 = vector.broadcast %convert_element_type3A_146 : f32 to vector<1x768xf32>
    %mul3A_148 = arith.mulf %mul3A_147, %exp3A : vector<1x768xf32>
    %sin3A_149 = math.sin %mul3A_148 : vector<1x768xf32>
    %cos3A_150 = math.cos %mul3A_148 : vector<1x768xf32>
    %select_n3A_151 = arith.select %eq3A_45, %cos3A_150, %sin3A_149 : vector<1x768xi1>, vector<1x768xf32>
    %neg3A_152 = arith.constant 0.000000e+00 : f32
    %neg3A_153 = vector.broadcast %neg3A_152 : f32 to vector<1x768xf32>
    %neg3A_154 = arith.subf %neg3A_153, %sin3A_149 : vector<1x768xf32>
    %select_n3A_155 = arith.select %eq3A_45, %neg3A_154, %cos3A_150 : vector<1x768xi1>, vector<1x768xf32>
    %get3A_156 = arith.constant 0 : index
    %get3A_157 = arith.constant 0 : index
    %get3A_158 = vector.load %arg8[%get3A_156, %get3A_157] : memref<512x768xf32, #tpu.memory_space<vmem>>, vector<512x768xf32>
    %mul3A_159 = vector.broadcast %select_n3A_151 : vector<1x768xf32> to vector<512x768xf32>
    %mul3A_160 = arith.mulf %mul3A_159, %get3A_158 : vector<512x768xf32>
    %get3A_161 = arith.constant 0 : index
    %get3A_162 = arith.constant 0 : index
    %get3A_163 = vector.load %arg7[%get3A_161, %get3A_162] : memref<512x768xf32, #tpu.memory_space<vmem>>, vector<512x768xf32>
    %mul3A_164 = vector.broadcast %select_n3A_155 : vector<1x768xf32> to vector<512x768xf32>
    %mul3A_165 = arith.mulf %mul3A_164, %get3A_163 : vector<512x768xf32>
    %add3A_166 = arith.addf %mul3A_160, %mul3A_165 : vector<512x768xf32>
    %mul3A_167 = arith.constant 2048 : i32
    %mul3A_168 = arith.muli %add3A_0, %mul3A_167 : i32
    %add3A_169 = arith.constant 1536 : i32
    %add3A_170 = arith.addi %mul3A_168, %add3A_169 : i32
    %jit3A_171 = arith.constant 8192 : i32
    %eq3A_172 = arith.constant 0 : i32
    %eq3A_173 = arith.cmpi eq, %jit3A_171, %eq3A_172 : i32
    %jit3A_174 = arith.constant 1 : i32
    %select_n3A_175 = arith.select %eq3A_173, %jit3A_174, %jit3A_171 : i32
    %rem3A_176 = arith.remsi %add3A_170, %select_n3A_175 : i32
    %ne3A_177 = arith.constant 0 : i32
    %ne3A_178 = arith.cmpi ne, %rem3A_176, %ne3A_177 : i32
    %lt3A_179 = arith.constant 0 : i32
    %lt3A_180 = arith.cmpi slt, %rem3A_176, %lt3A_179 : i32
    %lt3A_181 = arith.constant 0 : i32
    %lt3A_182 = arith.cmpi slt, %select_n3A_175, %lt3A_181 : i32
    %ne3A_183 = arith.xori %lt3A_180, %lt3A_182 : i1
    %and3A_184 = arith.andi %ne3A_183, %ne3A_178 : i1
    %add3A_185 = arith.addi %rem3A_176, %select_n3A_175 : i32
    %select_n3A_186 = arith.select %and3A_184, %add3A_185, %rem3A_176 : i32
    %convert_element_type3A_187 = arith.sitofp %select_n3A_186 : i32 to f32
    %mul3A_188 = vector.broadcast %convert_element_type3A_187 : f32 to vector<1x768xf32>
    %mul3A_189 = arith.mulf %mul3A_188, %exp3A : vector<1x768xf32>
    %sin3A_190 = math.sin %mul3A_189 : vector<1x768xf32>
    %cos3A_191 = math.cos %mul3A_189 : vector<1x768xf32>
    %select_n3A_192 = arith.select %eq3A_45, %cos3A_191, %sin3A_190 : vector<1x768xi1>, vector<1x768xf32>
    %neg3A_193 = arith.constant 0.000000e+00 : f32
    %neg3A_194 = vector.broadcast %neg3A_193 : f32 to vector<1x768xf32>
    %neg3A_195 = arith.subf %neg3A_194, %sin3A_190 : vector<1x768xf32>
    %select_n3A_196 = arith.select %eq3A_45, %neg3A_195, %cos3A_191 : vector<1x768xi1>, vector<1x768xf32>
    %get3A_197 = arith.constant 0 : index
    %get3A_198 = arith.constant 0 : index
    %get3A_199 = vector.load %arg8[%get3A_197, %get3A_198] : memref<512x768xf32, #tpu.memory_space<vmem>>, vector<512x768xf32>
    %mul3A_200 = vector.broadcast %select_n3A_192 : vector<1x768xf32> to vector<512x768xf32>
    %mul3A_201 = arith.mulf %mul3A_200, %get3A_199 : vector<512x768xf32>
    %get3A_202 = arith.constant 0 : index
    %get3A_203 = arith.constant 0 : index
    %get3A_204 = vector.load %arg7[%get3A_202, %get3A_203] : memref<512x768xf32, #tpu.memory_space<vmem>>, vector<512x768xf32>
    %mul3A_205 = vector.broadcast %select_n3A_196 : vector<1x768xf32> to vector<512x768xf32>
    %mul3A_206 = arith.mulf %mul3A_205, %get3A_204 : vector<512x768xf32>
    %add3A_207 = arith.addf %mul3A_201, %mul3A_206 : vector<512x768xf32>
    %concatenate3A = tpu.concatenate %add3A_84, %add3A_125, %add3A_166, %add3A_207 in 0 : vector<512x768xf32>, vector<512x768xf32>, vector<512x768xf32>, vector<512x768xf32> -> vector<2048x768xf32>
    %add3A_208 = arith.addf %mul3A_42, %concatenate3A : vector<2048x768xf32>
    %reduce_sum3A = arith.constant dense<0.000000e+00> : vector<2048xf32>
    %reduce_sum3A_209 = vector.multi_reduction <add>, %add3A_208, %reduce_sum3A [1] : vector<2048x768xf32> to vector<2048xf32>
    %broadcast_in_dim3A = vector.shape_cast %reduce_sum3A_209 : vector<2048xf32> to vector<2048x1xf32>
    %div3A_210 = arith.constant 7.680000e+02 : f32
    %div3A_211 = vector.broadcast %div3A_210 : f32 to vector<2048x1xf32>
    %div3A_212 = arith.divf %broadcast_in_dim3A, %div3A_211 : vector<2048x1xf32>
    %sub3A_213 = vector.broadcast %div3A_212 : vector<2048x1xf32> to vector<2048x768xf32>
    %sub3A_214 = arith.subf %add3A_208, %sub3A_213 : vector<2048x768xf32>
    %mul3A_215 = arith.mulf %sub3A_214, %sub3A_214 : vector<2048x768xf32>
    %reduce_sum3A_216 = arith.constant dense<0.000000e+00> : vector<2048xf32>
    %reduce_sum3A_217 = vector.multi_reduction <add>, %mul3A_215, %reduce_sum3A_216 [1] : vector<2048x768xf32> to vector<2048xf32>
    %broadcast_in_dim3A_218 = vector.shape_cast %reduce_sum3A_217 : vector<2048xf32> to vector<2048x1xf32>
    %div3A_219 = arith.constant 7.680000e+02 : f32
    %div3A_220 = vector.broadcast %div3A_219 : f32 to vector<2048x1xf32>
    %div3A_221 = arith.divf %broadcast_in_dim3A_218, %div3A_220 : vector<2048x1xf32>
    %add3A_222 = arith.constant 9.99999974E-6 : f32
    %add3A_223 = vector.broadcast %add3A_222 : f32 to vector<2048x1xf32>
    %add3A_224 = arith.addf %div3A_221, %add3A_223 : vector<2048x1xf32>
    %rsqrt3A = math.rsqrt %add3A_224 : vector<2048x1xf32>
    %mul3A_225 = vector.broadcast %rsqrt3A : vector<2048x1xf32> to vector<2048x768xf32>
    %mul3A_226 = arith.mulf %sub3A_214, %mul3A_225 : vector<2048x768xf32>
    %get3A_227 = arith.constant 0 : index
    %get3A_228 = arith.constant 0 : index
    %get3A_229 = vector.load %arg4[%get3A_227, %get3A_228] : memref<1x768xf32, #tpu.memory_space<vmem>>, vector<1x768xf32>
    %mul3A_230 = vector.broadcast %get3A_229 : vector<1x768xf32> to vector<2048x768xf32>
    %mul3A_231 = arith.mulf %mul3A_226, %mul3A_230 : vector<2048x768xf32>
    %get3A_232 = arith.constant 0 : index
    %get3A_233 = arith.constant 0 : index
    %get3A_234 = vector.load %arg5[%get3A_232, %get3A_233] : memref<1x768xf32, #tpu.memory_space<vmem>>, vector<1x768xf32>
    %add3A_235 = vector.broadcast %get3A_234 : vector<1x768xf32> to vector<2048x768xf32>
    %add3A_236 = arith.addf %mul3A_231, %add3A_235 : vector<2048x768xf32>
    %swap3A = arith.constant 0 : index
    %swap3A_237 = arith.constant 0 : index
    %swap3A_238 = vector.load %arg6[%swap3A, %swap3A_237] : memref<2048x768xf32, #tpu.memory_space<vmem>>, vector<2048x768xf32>
    tpu.vector_store %arg6[%swap3A, %swap3A_237], %add3A_236 {strides = array<i32>} : memref<2048x768xf32, #tpu.memory_space<vmem>>, vector<2048x768xf32>,
    return
  }
  func.func @transform_0(%arg0: i32) -> (i32, i32) {
    %c0_i32 = arith.constant 0 : i32
    %c0_i32_0 = arith.constant 0 : i32
    return %arg0, %c0_i32 : i32, i32
  }
  func.func @transform_1(%arg0: i32) -> (i32, i32) {
    %c0_i32 = arith.constant 0 : i32
    %c0_i32_0 = arith.constant 0 : i32
    %c0_i32_1 = arith.constant 0 : i32
    return %c0_i32, %c0_i32_0 : i32, i32
  }
  func.func @transform_2(%arg0: i32) -> (i32, i32) {
    %c0_i32 = arith.constant 0 : i32
    %c0_i32_0 = arith.constant 0 : i32
    %c0_i32_1 = arith.constant 0 : i32
    return %c0_i32, %c0_i32_0 : i32, i32
  }
  func.func @transform_3(%arg0: i32) -> (i32, i32) {
    %c0_i32 = arith.constant 0 : i32
    %c0_i32_0 = arith.constant 0 : i32
    %c0_i32_1 = arith.constant 0 : i32
    return %c0_i32, %c0_i32_0 : i32, i32
  }
  func.func @transform_4(%arg0: i32) -> (i32, i32) {
    %c0_i32 = arith.constant 0 : i32
    %c0_i32_0 = arith.constant 0 : i32
    %c0_i32_1 = arith.constant 0 : i32
    return %c0_i32, %c0_i32_0 : i32, i32
  }
  func.func @transform_5(%arg0: i32) -> (i32, i32) {
    %add3A = arith.constant 0 : i32
    %add3A_0 = arith.addi %arg0, %add3A : i32
    %c0_i32 = arith.constant 0 : i32
    %c0_i32_1 = arith.constant 0 : i32
    return %add3A_0, %c0_i32 : i32, i32
  }
}

</mosaic_0001>

<sc_bundles>
// kernel: kernel.4.cloned.1.call-start
scs
__scs_entry_jumppad:
0x0: {  	(pc) =	sbr.rel $0x88, $3  }
0x1: {  	(tag) =	ssettag $0x0;
	lr =	simm.s32 $0x1  }
0x2: {  	[smem:$0x3F9B] =	sst lr;
	_ =	strace $0xD0000000  }
0x3: {  	_ = 	snop  }
0x4: {  	_ = 	snop  }
0x5: {  	_ = 	snop  }
0x6: {  	_ = 	snop  }
0x7: {  	_ = 	snop  }
__scs_overlays_trampoline_lowered:
0x8: {  	[smem:$0x3FAA] =	sst s0  }
0x9: {  	[smem:$0x3FAB] =	sst s1  }
0xa: {  	[smem:$0x3FAC] =	sst s2  }
0xb: {  	[smem:$0x3FAD] =	sst s3  }
0xc: {  	[smem:$0x3FAE] =	sst s4  }
0xd: {  	[smem:$0x3FAF] =	sst s5  }
0xe: {  	[smem:$0x3FB0] =	sst s6  }
0xf: {  	[smem:$0x3FB1] =	sst s7  }
0x10: {  	[smem:$0x3FB2] =	sst s8  }
0x11: {  	[smem:$0x3FB3] =	sst s9;
	s0 =	simm.s32 @!p0 $0x0  }
0x12: {  	s1 =	sld [smem:$0x3F99];
	s0 =	simm.s32 @p0 $0x1  }
0x13: {  	[smem:$0x3FB4] =	sst s0;
	s0 =	simm.s32 @!p1 $0x0  }
0x14: {  	s2 =	sld [smem:$0x3F98];
	s0 =	simm.s32 @p1 $0x1  }
0x15: {  	[smem:$0x3FB5] =	sst s0;
	s0 =	simm.s32 @!p2 $0x0  }
0x16: {  	s3 =	sld [smem:$0x3FDB];
	s0 =	simm.s32 @p2 $0x1  }
0x17: {  	s4 =	simm.s32 $0x1BF5;
	[smem:$0x3FB7] =	sst s0  }
0x18: {  	s0 =	sld [smem:$0x3F9A];
	_ =	swait.ge [sflag:s4], $0x0  }
0x19: {  	s7 =	sld [smem:$0x3F9B]  }
0x1a: {  	s8 =	sadd.s32 $0xFFFFE003, lr  }
0x1b: {  	s9 =	sadd.s32 $0xFFFFFEF7, lr;
	s5 =	simm.s32 $0xFFFFFFFF;
	p2 =	slt.u32 s8, $0xFFFFF086  }
0x1c: {  	p1 =	slt.u32 s9, $0xF7A;
	s5 =	simm.s32 @!p2 $0x0  }
0x1d: {  	s5 =	simm.s32 @p1 $0x1;
	p0 =	seq.s32 s7, s2  }
0x1e: {  	s7 =	smul.u32 @!p0 $0xF7A, s2;
	p2 =	seq.s32 @!p0 s5, $0x0  }
0x1f: {  	s9 =	smul.u32 $0xF7A, s1;
	s8 =	simm.s32 @!p0 $0x1BF5;
	p2 =	por !p2, p0  }
0x20: {  	[sflag:s8] =	ssyncset.s32 @!p0 $0xFFFFF086;
	s6 =	sadd.s32 @!p0 s3, s7;
	s7 =	simm.s32 @!p0 $0x108  }
0x21: {  	s3 =	sadd.s32 s3, s9;
	s6 =	sadd.s32 @!p0 $0x88, s6;
	s7 =	simm.s32 @p2 $0x1082  }
0x22: {  	[simem:s7], [sflag:s8] =	dma.local @!p0 [hbm:s6], $0xF7A  }
0x23: {  	s9 =	sor.u32 $0xD0000000, s2;
	s6 =	simm.s32 $0x108;
	_ =	swait.ge @!p0 [sflag:s8], $0x0  }
0x24: {  	s3 =	sadd.s32 $0x88, s3;
	s6 =	simm.s32 @!p1 $0x1082;
	[sflag:s4] =	ssyncset.s32 $0xFFFFF086  }
0x25: {  	[simem:s6], [sflag:s4] =	dma.local [hbm:s3], $0xF7A  }
0x26: {  	[smem:$0x3F9B] =	sst s1;
	(tag) =	ssettag s2;
	_ =	strace s9  }
0x27: {  	s1 =	sld [smem:$0x3FAB]  }
0x28: {  	s2 =	sld [smem:$0x3FAC]  }
0x29: {  	s4 =	sld [smem:$0x3FAE]  }
0x2a: {  	p0 =	seq.s32 s5, $0x0;
	s5 =	sld [smem:$0x3FAF]  }
0x2b: {  	s6 =	sld [smem:$0x3FB0]  }
0x2c: {  	s7 =	sld [smem:$0x3FB1]  }
0x2d: {  	s3 =	simm.s32 $0x108;
	s8 =	sld [smem:$0x3FB2]  }
0x2e: {  	s3 =	simm.s32 @!p0 $0x1082;
	s9 =	sld [smem:$0x3FB3]  }
0x2f: {  	lr =	sadd.s32 s0, s3;
	s0 =	sld [smem:$0x3FAA]  }
0x30: {  	s3 =	sld [smem:$0x3FAD]  }
0x31: {  	[smem:$0x3FB6] =	sst s10  }
0x32: {  	s10 =	sld [smem:$0x3FB4];
	_ =	sdelay $0x3  }
0x33: {  	p0 =	seq.s32 s10, $0x1;
	s10 =	sld [smem:$0x3FB6];
	_ =	sdelay $0x3  }
0x34: {  	[smem:$0x3FB6] =	sst s10  }
0x35: {  	s10 =	sld [smem:$0x3FB5];
	_ =	sdelay $0x3  }
0x36: {  	p1 =	seq.s32 s10, $0x1;
	s10 =	sld [smem:$0x3FB6];
	_ =	sdelay $0x3  }
0x37: {  	[smem:$0x3FB6] =	sst s10  }
0x38: {  	s10 =	sld [smem:$0x3FB7]  }
0x39: {  	_ = 	snop;
	(pc) =	sbr.ind lr, $3  }
0x3a: {  	_ = 	snop  }
0x3b: {  	_ = 	snop  }
0x3c: {  	p2 =	seq.s32 s10, $0x1;
	s10 =	sld [smem:$0x3FB6]  }
0x3d: {  	_ =	shalt  }
0x3e: {  	_ =	shalt  }
0x3f: {  	_ =	shalt  }
0x40: {  	_ =	shalt  }
0x41: {  	_ =	shalt  }
0x42: {  	_ =	shalt  }
0x43: {  	_ =	shalt  }
0x44: {  	_ =	shalt  }
0x45: {  	_ =	shalt  }
0x46: {  	_ =	shalt  }
0x47: {  	_ =	shalt  }
0x48: {  	_ =	shalt  }
0x49: {  	_ =	shalt  }
0x4a: {  	_ =	shalt  }
0x4b: {  	_ =	shalt  }
0x4c: {  	_ =	shalt  }
0x4d: {  	_ =	shalt  }
0x4e: {  	_ =	shalt  }
0x4f: {  	_ =	shalt  }
0x50: {  	_ =	shalt  }
0x51: {  	_ =	shalt  }
0x52: {  	_ =	shalt  }
0x53: {  	_ =	shalt  }
0x54: {  	_ =	shalt  }
0x55: {  	_ =	shalt  }
0x56: {  	_ =	shalt  }
0x57: {  	_ =	shalt  }
0x58: {  	_ =	shalt  }
0x59: {  	_ =	shalt  }
0x5a: {  	_ =	shalt  }
0x5b: {  	_ =	shalt  }
0x5c: {  	_ =	shalt  }
0x5d: {  	_ =	shalt  }
0x5e: {  	_ =	shalt  }
0x5f: {  	_ =	shalt  }
0x60: {  	_ =	shalt  }
0x61: {  	_ =	shalt  }
0x62: {  	_ =	shalt  }
0x63: {  	_ =	shalt  }
0x64: {  	_ =	shalt  }
0x65: {  	_ =	shalt  }
0x66: {  	_ =	shalt  }
0x67: {  	_ =	shalt  }
0x68: {  	_ =	shalt  }
0x69: {  	_ =	shalt  }
0x6a: {  	_ =	shalt  }
0x6b: {  	_ =	shalt  }
0x6c: {  	_ =	shalt  }
0x6d: {  	_ =	shalt  }
0x6e: {  	_ =	shalt  }
0x6f: {  	_ =	shalt  }
0x70: {  	_ =	shalt  }
0x71: {  	_ =	shalt  }
0x72: {  	_ =	shalt  }
0x73: {  	_ =	shalt  }
0x74: {  	_ =	shalt  }
0x75: {  	_ =	shalt  }
0x76: {  	_ =	shalt  }
0x77: {  	_ =	shalt  }
0x78: {  	_ =	shalt  }
0x79: {  	_ =	shalt  }
0x7a: {  	_ =	shalt  }
0x7b: {  	_ =	shalt  }
0x7c: {  	_ =	shalt  }
0x7d: {  	_ =	shalt  }
0x7e: {  	_ =	shalt  }
0x7f: {  	_ =	shalt  }
0x80: {  	_ =	shalt  }
0x81: {  	_ =	shalt  }
0x82: {  	_ =	shalt  }
0x83: {  	_ =	shalt  }
0x84: {  	_ =	shalt  }
0x85: {  	_ =	shalt  }
0x86: {  	_ =	shalt  }
0x87: {  	_ =	shalt  }
.Lfunc_end0:
.L_simem_size_0:
called_computation_lowered:
.L_overlay_start_0:
0x88: {  	s2 =	sld [smem:$0x3FD9]  }
0x89: {  	s3 =	sld [smem:$0x3FFE];
	_ =	sdelay $0x1  }
0x8a: {  	s1 =	srdreg.scid  }
0x8b: {  	s0 =	sand.u32 $0x1, s1  }
0x8c: {  	s17 =	sshll.u32 s0, $0xA;
	s2 =	sadd.s32 s3, s2  }
0x8d: {  	s2 =	sadd.s32 s2, s17  }
0x8e: {  	[smem:$0x3FC2] =	sst s2  }
0x8f: {  	_ = 	snop  }
0x90: {  	s2 =	sld [smem:$0x3FC8]  }
0x91: {  	s18 =	sld [smem:$0x3FD0];
	(tm) =	ssettm $0x1  }
0x92: {  	s4 =	sld [smem:$0x3FFB];
	_ =	sdelay $0x3  }
0x93: {  	_ =	strace s4  }
0x94: {  	s4 =	sld [smem:$0x3FFC];
	_ =	sdelay $0x3  }
0x95: {  	_ =	strace s4  }
0x96: {  	s4 =	sld [smem:$0x3FFD];
	_ =	sdelay $0x3  }
0x97: {  	_ =	strace s4  }
0x98: {  	_ =	strace $0x8FFFFFFF  }
0x99: {  	s19 =	sld [smem:$0x3FDB];
	_ =	sdelay $0x1  }
0x9a: {  	s5 =	simm.s32 $_scs_section_size  }
0x9b: {  	s6 =	simm.s32 $_size__tile_overlayer_lowered;
	s7 =	simm.s32 $_tile_overlayer_lowered  }
0x9c: {  	s22 =	simm.s32 $0x1BFF;
	s21 =	sshll.u32 s7, $0x1;
	s4 =	sadd.s32 s5, s19  }
0x9d: {  	s8 =	simm.s32 $0x0;
	s20 =	sshll.u32 s6, $0x1;
	s6 =	sadd.s32 s21, s4  }
0x9e: {  	[timem:s8], [sflag:s22] =	dma.local [hbm:s6], s20  }
0x9f: {  	_ =	swait.ge [sflag:s22], s20  }
0xa0: {  	s5 =	ssub.s32 $0x0, s20;
	[sflag:s22] =	ssyncset.done $0x0  }
0xa1: {  	[sflag:s22] =	ssyncadd.s32 s5;
	_ =	sdelay $0x1  }
0xa2: {  	s23 =	simm.s32 $0x1B8B  }
0xa3: {  	_ =	swait.ge [sflag:s23], $0x1  }
0xa4: {  	[sflag:s23] =	ssyncset.done $0x0  }
0xa5: {  	s25 =	simm.s32 $0x1B8E;
	s24 =	sld [smem:$0x3FFE];
	[sflag:s23] =	ssyncadd.s32 $0xFFFFFFFF  }
0xa6: {  	s26 =	simm.s32 $execute0_lowered;
	[smem:$0x3FD2] =	sst s25  }
0xa7: {  	s6 =	sshll.u32 s26, $0x1;
	_ =	strace $0x80000046;
	[dreg:$0x1] =	wrdreg $0xFFFFFFFF  }
0xa8: {  	s28 =	simm.s32 $_size_execute0_lowered;
	s4 =	sadd.s32 s4, s6;
	[dreg:$0x0] =	wrdreg $0x0  }
0xa9: {  	s6 =	sshll.u32 s28, $0x1;
	[dreg:$0x2] =	wrdreg s4  }
0xaa: {  	[dreg:$0x3] =	wrdreg s6  }
0xab: {  	[dreg:$0x4] =	wrdreg $0xC0  }
0xac: {  	_ =	task [dreg:s8], $0x5FFFF  }
0xad: {  	[dreg:$0x1] =	wrdreg $0xFFFFFFFF  }
0xae: {  	[dreg:$0x0] =	wrdreg $0x60  }
0xaf: {  	[dreg:$0x2] =	wrdreg s2  }
0xb0: {  	[dreg:$0x3] =	wrdreg s24  }
0xb1: {  	[dreg:$0x4] =	wrdreg s18  }
0xb2: {  	[dreg:$0x5] =	wrdreg $0x9  }
0xb3: {  	_ =	task.clear_ibuf [dreg:s8], $0x6FFFF;
	_ =	strace $0x90000046  }
0xb4: {  	s29 =	simm.s32 $0x9;
	_ =	strace $0x80000048  }
0xb5: {  	_ =	swait.ge [sflag:s29], $0x1  }
0xb6: {  	[sflag:s29] =	ssyncadd.s32 $0xFFFFFFFF  }
0xb7: {  	_ =	strace $0x90000048  }
0xb8: {  	_ =	sfence  }
0xb9: {  	s30 =	sld [smem:$0x0];
	_ =	sdelay $0x2  }
0xba: {  	s31 =	sshll.u32 s1, $0xD;
	s1 =	sshrl.u32 s1, $0x2  }
0xbb: {  	s3 =	sand.u32 $0x4000, s31;
	s1 =	sadd.s32 s1, s30  }
0xbc: {  	s0 =	sor.u32 s3, s0;
	s1 =	sshll.u32 s1, $0x11  }
0xbd: {  	s0 =	sor.u32 s1, s0  }
0xbe: {  	s0 =	sadd.s32 $0x8F2B, s0  }
0xbf: {  	[sflag:s0] =	ssyncadd.remote.s32 $0x1  }
0xc0: {  	_ =	sfence.sel $0xFFFF  }
0xc1: {  	[dreg:$0x0] =	wrdreg $0xFFFFFFFF;
	(pc) =	sbr.abs _section_cstart, $3  }
0xc2: {  	[dreg:$0x1] =	wrdreg $0xFFFFFFFF  }
0xc3: {  	_ =	task.clear_ibuf [dreg:s8], $0x2FFFF;
	_ =	strace $0x9FFFFFFF  }
0xc4: {  	(tm) =	ssettm $0x7FFFFFFF  }
0xc5: {  	_ =	shalt  }
tec
execute0_lowered:
.L_overlay_start_1:
0x0: {  	(tag) =	ssettag $0x1  }
0x1: {  	s1 =	srdreg.scid  }
0x2: {  	s0 =	stileid.u32;
	s1 =	sand.u32 $0x1, s1  }
0x3: {  	s3 =	sshll.u32 s0, $0xB;
	s5 =	sshll.u32 s1, $0xA  }
0x4: {  	s2 =	rddreg [dreg:$0x0];
	s5 =	sor.u32 s5, s3  }
0x5: {  	s4 =	rddreg [dreg:$0x1];
	s7 =	sshrl.u32 s5, $0x3  }
0x6: {  	s6 =	rddreg [dreg:$0x2];
	s3 =	simm.s32 $0x0;
	s4 =	sadd.s32 s7, s4  }
0x7: {  	[smem:$0x7FF] =	sst s3;
	s24 =	sshll.u32 s5, $0x4;
	s4 =	sadd.s32 $0xE00, s4  }
0x8: {  	_ =	strace $0x80000047;
	[dreg:$0x4] =	wrdreg s4;
	s4 =	sadd.s32 s6, s24  }
0x9: {  	s25 =	rddreg [dreg:$0x4];
	s26 =	sadd.s32 $0x800, s4  }
0xa: {  	s5 =	simm.s32 $0x9;
	[dreg:$0x5] =	wrdreg s26  }
0xb: {  	[tilespmem:s3], [sflag:$0x9] =	stream.linear.gather [hbm4b:s25+s3], $0x400, $0x38;
	[tilespmem:$0x10400] =	vst v63  }
0xc: {  	_ =	swait.ge [sflag:s5], $0x400  }
0xd: {  	[sflag:s5] =	ssyncset.done $0x0  }
0xe: {  	s7 =	simm.s32 $0x400;
	s6 =	simm.s32 $0x80;
	[sflag:s5] =	ssyncadd.s32 $0xFFFFFC00  }
0xf: {  	[tilespmem:s7], [sflag:$0x1] =	stream.indirect.gather [hbm4b:s2+s6], $0x80, s3, s6, $0xb8;
	[tilespmem:$0x10400] =	vst v63  }
0x10: {  	s8 =	simm.s32 $0x4400  }
0x11: {  	[tilespmem:s8], [sflag:$0x2] =	stream.indirect.gather [hbm4b:s2+s6], $0x80, s6, s6, $0xb8;
	[tilespmem:$0x10400] =	vst v63  }
0x12: {  	s9 =	simm.s32 $0x100;
	s10 =	simm.s32 $0x8400  }
0x13: {  	[tilespmem:s10], [sflag:$0x3] =	stream.indirect.gather [hbm4b:s2+s6], $0x80, s9, s6, $0xb8;
	[tilespmem:$0x10400] =	vst v63  }
0x14: {  	s11 =	simm.s32 $0x180;
	s12 =	simm.s32 $0xC400;
	s13 =	simm.s32 $0x1  }
0x15: {  	[tilespmem:s12], [sflag:$0x4] =	stream.indirect.gather [hbm4b:s2+s6], $0x80, s11, s6, $0xb8;
	[tilespmem:$0x10400] =	vst v63  }
0x16: {  	_ =	swait.ge [sflag:s13], $0x4000  }
0x17: {  	[sflag:s13] =	ssyncset.done $0x0  }
0x18: {  	s14 =	simm.s32 $0x5;
	[sflag:s13] =	ssyncadd.s32 $0xFFFFC000  }
0x19: {  	[hbm4b:s4+s3] =	stream.linear.scatter [tilespmem:s7], [sflag:$0x5], $0x4000, $0x38;
	[tilespmem:$0x10400] =	vst v63  }
0x1a: {  	_ =	swait.ge [sflag:s14], $0x4000  }
0x1b: {  	[sflag:s14] =	ssyncset.done $0x0  }
0x1c: {  	s15 =	simm.s32 $0x200;
	s16 =	simm.s32 $0x2;
	[sflag:s14] =	ssyncadd.s32 $0xFFFFC000  }
0x1d: {  	[tilespmem:s7], [sflag:$0x1] =	stream.indirect.gather [hbm4b:s2+s6], $0x80, s15, s6, $0xb8;
	[tilespmem:$0x10400] =	vst v63  }
0x1e: {  	_ =	swait.ge [sflag:s16], $0x4000  }
0x1f: {  	[sflag:s16] =	ssyncset.done $0x0  }
0x20: {  	s17 =	simm.s32 $0x6;
	s18 =	rddreg [dreg:$0x5];
	[sflag:s16] =	ssyncadd.s32 $0xFFFFC000  }
0x21: {  	[hbm4b:s18+s3] =	stream.linear.scatter [tilespmem:s8], [sflag:$0x6], $0x4000, $0x38;
	[tilespmem:$0x10400] =	vst v63  }
0x22: {  	_ =	swait.ge [sflag:s17], $0x4000  }
0x23: {  	[sflag:s17] =	ssyncset.done $0x0  }
0x24: {  	s19 =	simm.s32 $0x3;
	s18 =	simm.s32 $0x280;
	[sflag:s17] =	ssyncadd.s32 $0xFFFFC000  }
0x25: {  	[tilespmem:s8], [sflag:$0x2] =	stream.indirect.gather [hbm4b:s2+s6], $0x80, s18, s6, $0xb8;
	[tilespmem:$0x10400] =	vst v63  }
0x26: {  	_ =	swait.ge [sflag:s19], $0x4000  }
0x27: {  	[sflag:s19] =	ssyncset.done $0x0  }
0x28: {  	s21 =	simm.s32 $0x7;
	s20 =	sadd.s32 $0x1000, s4;
	[sflag:s19] =	ssyncadd.s32 $0xFFFFC000  }
0x29: {  	[hbm4b:s20+s3] =	stream.linear.scatter [tilespmem:s10], [sflag:$0x7], $0x4000, $0x38;
	[tilespmem:$0x10400] =	vst v63  }
0x2a: {  	_ =	swait.ge [sflag:s21], $0x4000  }
0x2b: {  	[sflag:s21] =	ssyncset.done $0x0  }
0x2c: {  	s22 =	simm.s32 $0x300;
	s23 =	simm.s32 $0x4;
	[sflag:s21] =	ssyncadd.s32 $0xFFFFC000  }
0x2d: {  	[tilespmem:s10], [sflag:$0x3] =	stream.indirect.gather [hbm4b:s2+s6], $0x80, s22, s6, $0xb8;
	[tilespmem:$0x10400] =	vst v63  }
0x2e: {  	_ =	swait.ge [sflag:s23], $0x4000  }
0x2f: {  	[sflag:s23] =	ssyncset.done $0x0  }
0x30: {  	s24 =	sadd.s32 $0x1800, s4;
	s25 =	simm.s32 $0x8;
	[sflag:s23] =	ssyncadd.s32 $0xFFFFC000  }
0x31: {  	[hbm4b:s24+s3] =	stream.linear.scatter [tilespmem:s12], [sflag:$0x8], $0x4000, $0x38;
	[tilespmem:$0x10400] =	vst v63  }
0x32: {  	_ =	swait.ge [sflag:s25], $0x4000  }
0x33: {  	[sflag:s25] =	ssyncset.done $0x0  }
0x34: {  	s26 =	simm.s32 $0x380;
	[sflag:s25] =	ssyncadd.s32 $0xFFFFC000  }
0x35: {  	[tilespmem:s12], [sflag:$0x4] =	stream.indirect.gather [hbm4b:s2+s6], $0x80, s26, s6, $0xb8;
	[tilespmem:$0x10400] =	vst v63  }
0x36: {  	_ =	swait.ge [sflag:s13], $0x4000  }
0x37: {  	[sflag:s13] =	ssyncset.done $0x0  }
0x38: {  	s28 =	sadd.s32 $0x2000, s4;
	[sflag:s13] =	ssyncadd.s32 $0xFFFFC000  }
0x39: {  	[hbm4b:s28+s3] =	stream.linear.scatter [tilespmem:s7], [sflag:$0x5], $0x4000, $0x38;
	[tilespmem:$0x10400] =	vst v63  }
0x3a: {  	_ =	swait.ge [sflag:s16], $0x4000  }
0x3b: {  	[sflag:s16] =	ssyncset.done $0x0  }
0x3c: {  	s29 =	sadd.s32 $0x2800, s4;
	[sflag:s16] =	ssyncadd.s32 $0xFFFFC000  }
0x3d: {  	[hbm4b:s29+s3] =	stream.linear.scatter [tilespmem:s8], [sflag:$0x6], $0x4000, $0x38;
	[tilespmem:$0x10400] =	vst v63  }
0x3e: {  	_ =	swait.ge [sflag:s19], $0x4000  }
0x3f: {  	[sflag:s19] =	ssyncset.done $0x0  }
0x40: {  	s30 =	sadd.s32 $0x3000, s4;
	[sflag:s19] =	ssyncadd.s32 $0xFFFFC000  }
0x41: {  	[hbm4b:s30+s3] =	stream.linear.scatter [tilespmem:s10], [sflag:$0x7], $0x4000, $0x38;
	[tilespmem:$0x10400] =	vst v63  }
0x42: {  	_ =	swait.ge [sflag:s23], $0x4000  }
0x43: {  	[sflag:s23] =	ssyncset.done $0x0  }
0x44: {  	s31 =	sadd.s32 $0x3800, s4;
	[sflag:s23] =	ssyncadd.s32 $0xFFFFC000  }
0x45: {  	[hbm4b:s31+s3] =	stream.linear.scatter [tilespmem:s12], [sflag:$0x8], $0x4000, $0x38;
	[tilespmem:$0x10400] =	vst v63  }
0x46: {  	s1 =	ssub.s32 $0x2, s1;
	_ =	swait.ge [sflag:s14], $0x4000  }
0x47: {  	s0 =	sshrl.u32 s1, $0x1;
	[sflag:s14] =	ssyncset.done $0x0  }
0x48: {  	s0 =	ssub.s32 s1, s0;
	[sflag:s14] =	ssyncadd.s32 $0xFFFFC000  }
0x49: {  	s0 =	smax.u32 s0, $0x1;
	_ =	swait.ge [sflag:s17], $0x4000  }
0x4a: {  	p0 =	sne.s32 s0, $0x1;
	[sflag:s17] =	ssyncset.done $0x0  }
.Ltmp0:
0x4b: {  	[sflag:s17] =	ssyncadd.s32 $0xFFFFC000;
	(pc) =	sbr.rel @!p0 .LBB2_2-.Ltmp0, $4  }
0x4c: {  	_ =	swait.ge [sflag:s21], $0x4000  }
0x4d: {  	[sflag:s21] =	ssyncset.done $0x0  }
0x4e: {  	[sflag:s21] =	ssyncadd.s32 $0xFFFFC000  }
0x4f: {  	s1 =	sadd.s32 $0xFFFFFFFF, s0;
	_ =	swait.ge [sflag:s25], $0x4000  }
.LBB2_1:
0x50: {  	[sflag:s25] =	ssyncset.done $0x0  }
0x51: {  	s0 =	rddreg [dreg:$0x4];
	[sflag:s25] =	ssyncadd.s32 $0xFFFFC000  }
0x52: {  	[tilespmem:s3], [sflag:$0x9] =	stream.linear.gather [hbm4b:s0+s3], $0x400, $0x38;
	[tilespmem:$0x10400] =	vst v63  }
0x53: {  	_ =	swait.ge [sflag:s5], $0x400  }
0x54: {  	[sflag:s5] =	ssyncset.done $0x0  }
0x55: {  	[sflag:s5] =	ssyncadd.s32 $0xFFFFFC00  }
0x56: {  	[tilespmem:s7], [sflag:$0x1] =	stream.indirect.gather [hbm4b:s2+s6], $0x80, s3, s6, $0xb8;
	[tilespmem:$0x10400] =	vst v63  }
0x57: {  	_ = 	snop  }
0x58: {  	[tilespmem:s8], [sflag:$0x2] =	stream.indirect.gather [hbm4b:s2+s6], $0x80, s6, s6, $0xb8;
	[tilespmem:$0x10400] =	vst v63  }
0x59: {  	_ = 	snop  }
0x5a: {  	[tilespmem:s10], [sflag:$0x3] =	stream.indirect.gather [hbm4b:s2+s6], $0x80, s9, s6, $0xb8;
	[tilespmem:$0x10400] =	vst v63  }
0x5b: {  	_ = 	snop  }
0x5c: {  	[tilespmem:s12], [sflag:$0x4] =	stream.indirect.gather [hbm4b:s2+s6], $0x80, s11, s6, $0xb8;
	[tilespmem:$0x10400] =	vst v63  }
0x5d: {  	_ =	swait.ge [sflag:s13], $0x4000  }
0x5e: {  	[sflag:s13] =	ssyncset.done $0x0  }
0x5f: {  	[sflag:s13] =	ssyncadd.s32 $0xFFFFC000  }
0x60: {  	[hbm4b:s4+s3] =	stream.linear.scatter [tilespmem:s7], [sflag:$0x5], $0x4000, $0x38;
	[tilespmem:$0x10400] =	vst v63  }
0x61: {  	_ =	swait.ge [sflag:s14], $0x4000  }
0x62: {  	[sflag:s14] =	ssyncset.done $0x0  }
0x63: {  	[sflag:s14] =	ssyncadd.s32 $0xFFFFC000  }
0x64: {  	[tilespmem:s7], [sflag:$0x1] =	stream.indirect.gather [hbm4b:s2+s6], $0x80, s15, s6, $0xb8;
	[tilespmem:$0x10400] =	vst v63  }
0x65: {  	_ =	swait.ge [sflag:s16], $0x4000  }
0x66: {  	[sflag:s16] =	ssyncset.done $0x0  }
0x67: {  	s0 =	rddreg [dreg:$0x5];
	[sflag:s16] =	ssyncadd.s32 $0xFFFFC000  }
0x68: {  	[hbm4b:s0+s3] =	stream.linear.scatter [tilespmem:s8], [sflag:$0x6], $0x4000, $0x38;
	[tilespmem:$0x10400] =	vst v63  }
0x69: {  	_ =	swait.ge [sflag:s17], $0x4000  }
0x6a: {  	[sflag:s17] =	ssyncset.done $0x0  }
0x6b: {  	[sflag:s17] =	ssyncadd.s32 $0xFFFFC000  }
0x6c: {  	[tilespmem:s8], [sflag:$0x2] =	stream.indirect.gather [hbm4b:s2+s6], $0x80, s18, s6, $0xb8;
	[tilespmem:$0x10400] =	vst v63  }
0x6d: {  	_ =	swait.ge [sflag:s19], $0x4000  }
0x6e: {  	[sflag:s19] =	ssyncset.done $0x0  }
0x6f: {  	[sflag:s19] =	ssyncadd.s32 $0xFFFFC000  }
0x70: {  	[hbm4b:s20+s3] =	stream.linear.scatter [tilespmem:s10], [sflag:$0x7], $0x4000, $0x38;
	[tilespmem:$0x10400] =	vst v63  }
0x71: {  	_ =	swait.ge [sflag:s21], $0x4000  }
0x72: {  	[sflag:s21] =	ssyncset.done $0x0  }
0x73: {  	[sflag:s21] =	ssyncadd.s32 $0xFFFFC000  }
0x74: {  	[tilespmem:s10], [sflag:$0x3] =	stream.indirect.gather [hbm4b:s2+s6], $0x80, s22, s6, $0xb8;
	[tilespmem:$0x10400] =	vst v63  }
0x75: {  	_ =	swait.ge [sflag:s23], $0x4000  }
0x76: {  	[sflag:s23] =	ssyncset.done $0x0  }
0x77: {  	[sflag:s23] =	ssyncadd.s32 $0xFFFFC000  }
0x78: {  	[hbm4b:s24+s3] =	stream.linear.scatter [tilespmem:s12], [sflag:$0x8], $0x4000, $0x38;
	[tilespmem:$0x10400] =	vst v63  }
0x79: {  	_ =	swait.ge [sflag:s25], $0x4000  }
0x7a: {  	[sflag:s25] =	ssyncset.done $0x0  }
0x7b: {  	[sflag:s25] =	ssyncadd.s32 $0xFFFFC000  }
0x7c: {  	[tilespmem:s12], [sflag:$0x4] =	stream.indirect.gather [hbm4b:s2+s6], $0x80, s26, s6, $0xb8;
	[tilespmem:$0x10400] =	vst v63  }
0x7d: {  	_ =	swait.ge [sflag:s13], $0x4000  }
0x7e: {  	[sflag:s13] =	ssyncset.done $0x0  }
0x7f: {  	[sflag:s13] =	ssyncadd.s32 $0xFFFFC000  }
0x80: {  	[hbm4b:s28+s3] =	stream.linear.scatter [tilespmem:s7], [sflag:$0x5], $0x4000, $0x38;
	[tilespmem:$0x10400] =	vst v63  }
0x81: {  	_ =	swait.ge [sflag:s16], $0x4000  }
0x82: {  	[sflag:s16] =	ssyncset.done $0x0  }
0x83: {  	[sflag:s16] =	ssyncadd.s32 $0xFFFFC000  }
0x84: {  	[hbm4b:s29+s3] =	stream.linear.scatter [tilespmem:s8], [sflag:$0x6], $0x4000, $0x38;
	[tilespmem:$0x10400] =	vst v63  }
0x85: {  	_ =	swait.ge [sflag:s19], $0x4000  }
0x86: {  	[sflag:s19] =	ssyncset.done $0x0  }
0x87: {  	[sflag:s19] =	ssyncadd.s32 $0xFFFFC000  }
0x88: {  	[hbm4b:s30+s3] =	stream.linear.scatter [tilespmem:s10], [sflag:$0x7], $0x4000, $0x38;
	[tilespmem:$0x10400] =	vst v63  }
0x89: {  	_ =	swait.ge [sflag:s23], $0x4000  }
0x8a: {  	[sflag:s23] =	ssyncset.done $0x0  }
0x8b: {  	[sflag:s23] =	ssyncadd.s32 $0xFFFFC000  }
0x8c: {  	[hbm4b:s31+s3] =	stream.linear.scatter [tilespmem:s12], [sflag:$0x8], $0x4000, $0x38;
	[tilespmem:$0x10400] =	vst v63  }
0x8d: {  	_ =	swait.ge [sflag:s14], $0x4000  }
0x8e: {  	[sflag:s14] =	ssyncset.done $0x0  }
0x8f: {  	[sflag:s14] =	ssyncadd.s32 $0xFFFFC000  }
0x90: {  	_ =	swait.ge [sflag:s17], $0x4000  }
0x91: {  	p0 =	sne.s32 s1, $0x1;
	[sflag:s17] =	ssyncset.done $0x0  }
.Ltmp1:
0x92: {  	[sflag:s17] =	ssyncadd.s32 $0xFFFFC000;
	(pc) =	sbr.rel @p0 .LBB2_1-.Ltmp1, $4  }
0x93: {  	_ =	swait.ge [sflag:s21], $0x4000  }
0x94: {  	[sflag:s21] =	ssyncset.done $0x0  }
0x95: {  	[sflag:s21] =	ssyncadd.s32 $0xFFFFC000  }
0x96: {  	s1 =	sadd.s32 $0xFFFFFFFF, s1;
	_ =	swait.ge [sflag:s25], $0x4000  }
.LBB2_2:
0x97: {  	[sflag:s25] =	ssyncset.done $0x0  }
0x98: {  	[sflag:s25] =	ssyncadd.s32 $0xFFFFC000  }
0x99: {  	_ =	sfence.sel $0x180000  }
0x9a: {  	[bflag:$0x0] =	sbarrier.arrive $0xFFFF  }
0x9b: {  	_ =	strace $0x90000047  }
0x9c: {  	s0 =	stileid.u32;
	[bflag:$0x2] =	sbarrier.arrive $0xFFFF  }
0x9d: {  	p0 =	sne.s32 s0, $0x0;
	s0 =	rddreg [dreg:$0x3]  }
0x9e: {  	s0 =	sadd.s32 @!p0 $0x100000, s0  }
0x9f: {  	[sflag:s0] =	ssyncadd.tile.s32 @!p0 $0x1;
	_ =	shalt  }
.Lfunc_end2:
_tile_overlayer_lowered:
.L_overlay_start_2:
0xa0: {  	(tag) =	ssettag $0x2  }
0xa1: {  	s0 =	rddreg [dreg:$0x0];
	s2 =	stileid.u32  }
0xa2: {  	s1 =	rddreg [dreg:$0x1];
	p0 =	sne.s32 s2, $0x0  }
0xa3: {  	s3 =	rddreg [dreg:$0x2];
	[bflag:$0x3] =	sbarrier.arrive $0xFFFF;
	s2 =	simm.s32 @!p0 $0x1C09  }
0xa4: {  	[timem:s3], [sflag:s2] =	dma.local @!p0 [hbm:s0], s1  }
0xa5: {  	s0 =	simm.s32 @!p0 $0x9  }
0xa6: {  	_ =	swait.ge @!p0 [sflag:s0], s1  }
0xa7: {  	s1 =	ssub.s32 @!p0 $0x0, s1;
	[sflag:s0] =	ssyncset.done @!p0 $0x0  }
0xa8: {  	[sflag:s0] =	ssyncadd.s32 @!p0 s1  }
0xa9: {  	[bflag:$0x3] =	sbarrier.arrive $0xFFFF  }
0xaa: {  	_ =	shalt  }

</sc_bundles>
